<compile_context>
chip_gen: v7x
topology: tpu7x:2x2x1
jax: 0.10.2.dev20260603
libtpu: 0.0.44.dev20260713+nightly
codegen_flags: <defaults>
</compile_context>

<pallas_src>
import functools

import jax
import jax.numpy as jnp
from jax import lax
from jax.experimental import pallas as pl
from jax.experimental.pallas import tpu as pltpu
from jax.experimental.pallas import tpu_sc as plsc

_PAD = 0
_V = 32000
_B, _K, _L, _LS = 32, 16, 128, 128
_LANES = 16
_NSUB = 16


def _rerank_body(cand_hbm, batch_hbm, out_hbm, len_hbm, score_hbm,
                 cand_v, batch_v, reft, candt_a, candt_b, row_v, len16_v,
                 score_sv, len_shared, lens_v, dma_sem):
    c = lax.axis_index("c")
    s = lax.axis_index("s")
    b = c * _NSUB + s

    cand_dma = pltpu.async_copy(cand_hbm.at[b], cand_v, dma_sem)
    pltpu.sync_copy(batch_hbm.at[b], batch_v)

    zeros = jnp.zeros((_LANES,), jnp.float32)
    ones = jnp.ones((_LANES,), jnp.float32)
    lane = lax.iota(jnp.int32, _LANES)

    bt = [batch_v[pl.ds(j * _LANES, _LANES)] for j in range(_LS // _LANES)]
    for t in bt:
        plsc.store_scatter(reft, [t], zeros)

    cand_dma.wait()

    def z_step(i, carry):
        t = cand_v[i >> 3, pl.ds((i & 7) * _LANES, _LANES)]
        plsc.store_scatter(reft, [t], zeros)
        return carry

    lax.fori_loop(0, _K * _L // _LANES, z_step, 0, unroll=4)

    for t in bt:
        plsc.addupdate_scatter(reft, [t], ones, mask=t != _PAD)
    r2acc = zeros
    for t in bt:
        r2acc = r2acc + plsc.load_gather(reft, [t])
    r2 = jnp.sum(r2acc)

    def k_step(i, carry):
        c2s, dots = carry
        ka = 2 * i
        kb = 2 * i + 1
        cta = [cand_v[ka, pl.ds(j * _LANES, _LANES)] for j in range(_L // _LANES)]
        ctb = [cand_v[kb, pl.ds(j * _LANES, _LANES)] for j in range(_L // _LANES)]
        dota = zeros
        dotb = zeros
        for ta, tb in zip(cta, ctb):
            dota = dota + plsc.load_gather(reft, [ta])
            plsc.store_scatter(candt_a, [ta], zeros)
            dotb = dotb + plsc.load_gather(reft, [tb])
            plsc.store_scatter(candt_b, [tb], zeros)
        for ta, tb in zip(cta, ctb):
            plsc.addupdate_scatter(candt_a, [ta], ones, mask=ta != _PAD)
            plsc.addupdate_scatter(candt_b, [tb], ones, mask=tb != _PAD)
        c2a = zeros
        c2b = zeros
        for ta, tb in zip(cta, ctb):
            c2a = c2a + plsc.load_gather(candt_a, [ta])
            c2b = c2b + plsc.load_gather(candt_b, [tb])
        c2s = jnp.where(lane == ka, jnp.broadcast_to(jnp.sum(c2a), (_LANES,)), c2s)
        c2s = jnp.where(lane == kb, jnp.broadcast_to(jnp.sum(c2b), (_LANES,)), c2s)
        dots = jnp.where(lane == ka, jnp.broadcast_to(jnp.sum(dota), (_LANES,)), dots)
        dots = jnp.where(lane == kb, jnp.broadcast_to(jnp.sum(dotb), (_LANES,)), dots)
        return c2s, dots

    c2s, dots = lax.fori_loop(0, _K // 2, k_step, (zeros, zeros))

    p = c2s * r2
    yi = jnp.int32(0x5F3759DF) - (plsc.bitcast(p, jnp.int32) >> 1)
    y = plsc.bitcast(yi, jnp.float32)
    for _ in range(4):
        y = y * (1.5 - 0.5 * p * y * y)
    scores = dots * y

    sorted_scores = jnp.sort(scores)

    m = jnp.min(scores)
    win = jnp.min(jnp.where(scores == m, lane, jnp.broadcast_to(jnp.int32(_K), (_LANES,))))

    nz = jnp.int32(0)
    winv = jnp.broadcast_to(win, (_LANES,))
    for j in range(_L // _LANES):
        v = plsc.load_gather(cand_v, [winv, j * _LANES + lane])
        row_v[pl.ds(j * _LANES, _LANES)] = v
        nz = nz + jnp.sum((v != _PAD).astype(jnp.int32))

    score_sv[...] = sorted_scores
    row_dma = pltpu.async_copy(row_v, out_hbm.at[b], dma_sem)
    score_dma = pltpu.async_copy(score_sv, score_hbm.at[b], dma_sem)

    len16_v[...] = jnp.broadcast_to(nz, (_LANES,))
    pltpu.sync_copy(len16_v, len_shared.at[pl.ds(s * _LANES, _LANES)])
    plsc.subcore_barrier()

    @pl.when(s == 0)
    def _():
        pltpu.sync_copy(len_shared, lens_v)
        diag = plsc.load_gather(lens_v, [lane * _LANES])
        len16_v[...] = diag
        pltpu.sync_copy(len16_v, len_hbm.at[pl.ds(c * _NSUB, _NSUB)])

    row_dma.wait()
    score_dma.wait()


@functools.cache
def _build_rerank():
    return functools.partial(
        pl.kernel,
        out_type=(
            jax.ShapeDtypeStruct((_B, _L), jnp.int32),
            jax.ShapeDtypeStruct((_B,), jnp.int32),
            jax.ShapeDtypeStruct((_B, _K), jnp.float32),
        ),
        mesh=plsc.VectorSubcoreMesh(
            core_axis_name="c", subcore_axis_name="s", num_cores=2, num_subcores=16
        ),
        compiler_params=pltpu.CompilerParams(
            needs_layout_passes=False,
            skip_device_barrier=True,
            disable_bounds_checks=True,
            disable_semaphore_checks=True,
        ),
        scratch_types=(
            pltpu.VMEM((_K, _L), jnp.int32),
            pltpu.VMEM((_LS,), jnp.int32),
            pltpu.VMEM((_V,), jnp.float32),
            pltpu.VMEM((_V,), jnp.float32),
            pltpu.VMEM((_V,), jnp.float32),
            pltpu.VMEM((_L,), jnp.int32),
            pltpu.VMEM((_LANES,), jnp.int32),
            pltpu.VMEM((_LANES,), jnp.float32),
            pltpu.VMEM_SHARED((_NSUB * _LANES,), jnp.int32),
            pltpu.VMEM((_NSUB * _LANES,), jnp.int32),
            pltpu.SemaphoreType.DMA,
        ),
    )(_rerank_body)


@jax.jit
def kernel(candidates, lengths, batch, tgt_field):
    del lengths, tgt_field
    out, lens, scores = _build_rerank()(candidates, batch)
    return out, lens, scores

# --- scband reference (transcript-rebuilt; emitter-appended) ---
"""Pipeline reference for scband-ngram-reranker-15805479649718 (READ-ONLY COPY).

The authoritative reference and input builder live on the scoring server;
editing this copy changes nothing except your own understanding.
"""

import jax, jax.numpy as jnp
import numpy as np

PAD_ID = 0
VOCAB = 32000
B, K, L, LS = 32, 16, 128, 128


def _khot_counts(idx, V):
    # sum of one-hots with pad ignored == scatter-add of pad-masked ones (same math)
    shp = idx.shape
    flat = idx.reshape(-1, shp[-1])
    ones = (flat != PAD_ID).astype(jnp.float32)
    rows = jnp.arange(flat.shape[0])[:, None]
    counts = jnp.zeros((flat.shape[0], V), jnp.float32).at[rows, flat].add(ones)
    return counts.reshape(shp[:-1] + (V,))


def setup_inputs(seed: int = 0) -> dict:
    key = jax.random.key(seed)
    k1, k2 = jax.random.split(key, 2)
    candidates = jax.random.randint(k1, (B, K, L), 0, VOCAB, dtype=jnp.int32)
    batch = jax.random.randint(k2, (B, LS), 0, VOCAB, dtype=jnp.int32)
    lengths = jnp.full((B,), L, dtype=jnp.int32)
    tgt_field = 0  # placeholder (unused by forward)
    return {"candidates": candidates, "lengths": lengths, "batch": batch, "tgt_field": tgt_field}


def reference(candidates, lengths, batch, tgt_field):
    refs_k_hot = _khot_counts(batch, VOCAB)[:, None, :]            # [B,1,V]
    candidates_k_hot = _khot_counts(candidates, VOCAB)[:, :, None, :]  # [B,K,1,V]
    # torch.matmul(refs_k_hot, candidates_k_hot.transpose(-1,-2)) with batch broadcast
    scores = jnp.matmul(refs_k_hot[:, None, :, :], jnp.swapaxes(candidates_k_hot, -1, -2))  # [B,K,1,1]
    scores = scores.squeeze(-1).squeeze(-1)  # [B,K]
    ref_norm = jnp.linalg.norm(refs_k_hot.squeeze(1), axis=-1)        # [B]
    cand_norm = jnp.linalg.norm(candidates_k_hot.squeeze(2), axis=-1)  # [B,K]
    scores = scores / (ref_norm[:, None] * cand_norm)
    sorted_indices = jnp.argsort(scores, axis=-1)  # ascending == descending=False
    sorted_scores = jnp.take_along_axis(scores, sorted_indices, axis=-1)
    sorted_seqs = jnp.take_along_axis(candidates, sorted_indices[:, :, None], axis=1)
    output = sorted_seqs[:, 0, :]  # top1=True
    out_len = jnp.sum(output != PAD_ID, axis=-1)
    return (output, out_len, sorted_scores)

if __name__ == "__main__":
    import jax
    _d = setup_inputs()
    print(jax.jit(kernel)(*tuple(_d.values())))

</pallas_src>

<mosaic_0001>
#map = affine_map<(d0, d1) -> (0, 0, 0)>
#map1 = affine_map<(d0, d1) -> (0, 0)>
#map2 = affine_map<(d0, d1) -> (0)>
module attributes {stable_mosaic.version = 14 : i64} {
  func.func @_rerank_body(%arg0: i32, %arg1: i32, %arg2: memref<32x16x128xi32, #tpu.memory_space<hbm>>, %arg3: memref<32x128xi32, #tpu.memory_space<hbm>>, %arg4: memref<32x128xi32, #tpu.memory_space<hbm>>, %arg5: memref<32xi32, #tpu.memory_space<hbm>>, %arg6: memref<32x16xf32, #tpu.memory_space<hbm>>, %arg7: memref<16x128xi32, #tpu.memory_space<vmem>>, %arg8: memref<128xi32, #tpu.memory_space<vmem>>, %arg9: memref<32000xf32, #tpu.memory_space<vmem>>, %arg10: memref<32000xf32, #tpu.memory_space<vmem>>, %arg11: memref<32000xf32, #tpu.memory_space<vmem>>, %arg12: memref<128xi32, #tpu.memory_space<vmem>>, %arg13: memref<16xi32, #tpu.memory_space<vmem>>, %arg14: memref<16xf32, #tpu.memory_space<vmem>>, %arg15: memref<256xi32, #tpu.memory_space<vmem_shared>>, %arg16: memref<256xi32, #tpu.memory_space<vmem>>, %arg17: memref<!tpu.dma_semaphore, #tpu.memory_space<semaphore_mem>>) attributes {dimension_semantics = [#tpu.dimension_semantics<core_parallel>, #tpu.dimension_semantics<subcore_parallel>], iteration_bounds = array<i64: 2, 16>, scalar_prefetch = 0 : i64, scratch_operands = 11 : i64, tpu.core_type = #tpu.core_type<sc_vector_subcore>, window_params = [{transform_indices = #map}, {transform_indices = #map1}, {transform_indices = #map1}, {transform_indices = #map2}, {transform_indices = #map1}]} {
    %mul3A = arith.constant 16 : i32
    %mul3A_0 = arith.muli %arg0, %mul3A : i32
    %add3A = arith.addi %mul3A_0, %arg1 : i32
    %dma_start3A = arith.constant 0 : i32
    %dma_start3A_1 = arith.constant 0 : i32
    %dma_start3A_2 = tpu.memref_slice %arg2[%add3A, %dma_start3A, %dma_start3A_1] : memref<32x16x128xi32, #tpu.memory_space<hbm>> -> memref<1x16x128xi32, #tpu.memory_space<hbm>>
    %dma_start3A_3 = tpu.memref_squeeze %dma_start3A_2 : memref<1x16x128xi32, #tpu.memory_space<hbm>> -> memref<16x128xi32, #tpu.memory_space<hbm>>
    %dma_start3A_4 = arith.constant 0 : i32
    %dma_start3A_5 = arith.constant 0 : i32
    %dma_start3A_6 = tpu.memref_slice %arg2[%add3A, %dma_start3A_4, %dma_start3A_5] : memref<32x16x128xi32, #tpu.memory_space<hbm>> -> memref<1x16x128xi32, #tpu.memory_space<hbm>>
    %dma_start3A_7 = tpu.memref_squeeze %dma_start3A_6 : memref<1x16x128xi32, #tpu.memory_space<hbm>> -> memref<16x128xi32, #tpu.memory_space<hbm>>
    tpu.enqueue_dma source(%dma_start3A_7 : memref<16x128xi32, #tpu.memory_space<hbm>>) target(%arg7 : memref<16x128xi32, #tpu.memory_space<vmem>>) target_semaphore(%arg17 : memref<!tpu.dma_semaphore, #tpu.memory_space<semaphore_mem>>)
    "tpu.region"() ({
      %run_scoped3A = tpu.sem_alloc : memref<!tpu.dma_semaphore, #tpu.memory_space<semaphore_mem>>
      %dma_start3A_301 = arith.constant 0 : i32
      %dma_start3A_302 = tpu.memref_slice %arg3[%add3A, %dma_start3A_301] : memref<32x128xi32, #tpu.memory_space<hbm>> -> memref<1x128xi32, #tpu.memory_space<hbm>>
      %dma_start3A_303 = tpu.memref_squeeze %dma_start3A_302 : memref<1x128xi32, #tpu.memory_space<hbm>> -> memref<128xi32, #tpu.memory_space<hbm>>
      %dma_start3A_304 = arith.constant 0 : i32
      %dma_start3A_305 = tpu.memref_slice %arg3[%add3A, %dma_start3A_304] : memref<32x128xi32, #tpu.memory_space<hbm>> -> memref<1x128xi32, #tpu.memory_space<hbm>>
      %dma_start3A_306 = tpu.memref_squeeze %dma_start3A_305 : memref<1x128xi32, #tpu.memory_space<hbm>> -> memref<128xi32, #tpu.memory_space<hbm>>
      tpu.enqueue_dma source(%dma_start3A_306 : memref<128xi32, #tpu.memory_space<hbm>>) target(%arg8 : memref<128xi32, #tpu.memory_space<vmem>>) target_semaphore(%run_scoped3A : memref<!tpu.dma_semaphore, #tpu.memory_space<semaphore_mem>>)
      %dma_wait3A_307 = arith.constant 0 : i32
      %dma_wait3A_308 = tpu.memref_slice %arg3[%add3A, %dma_wait3A_307] : memref<32x128xi32, #tpu.memory_space<hbm>> -> memref<1x128xi32, #tpu.memory_space<hbm>>
      %dma_wait3A_309 = tpu.memref_squeeze %dma_wait3A_308 : memref<1x128xi32, #tpu.memory_space<hbm>> -> memref<128xi32, #tpu.memory_space<hbm>>
      %dma_wait3A_310 = arith.constant 0 : i32
      %dma_wait3A_311 = tpu.memref_slice %arg3[%add3A, %dma_wait3A_310] : memref<32x128xi32, #tpu.memory_space<hbm>> -> memref<1x128xi32, #tpu.memory_space<hbm>>
      %dma_wait3A_312 = tpu.memref_squeeze %dma_wait3A_311 : memref<1x128xi32, #tpu.memory_space<hbm>> -> memref<128xi32, #tpu.memory_space<hbm>>
      tpu.wait_dma2 semaphore(%run_scoped3A : memref<!tpu.dma_semaphore, #tpu.memory_space<semaphore_mem>>) src(%dma_wait3A_312 : memref<128xi32, #tpu.memory_space<hbm>>) dst(%arg8 : memref<128xi32, #tpu.memory_space<vmem>>)
      tpu.yield
    }) : () -> ()
    %broadcast_in_dim3A = arith.constant 0.000000e+00 : f32
    %broadcast_in_dim3A_8 = vector.broadcast %broadcast_in_dim3A : f32 to vector<16xf32>
    %broadcast_in_dim3A_9 = arith.constant 1.000000e+00 : f32
    %broadcast_in_dim3A_10 = vector.broadcast %broadcast_in_dim3A_9 : f32 to vector<16xf32>
    %iota3A = tpu.iota {dimensions = array<i32: 0>} : vector<16xi32>
    %get3A = arith.constant 0 : index
    %get3A_11 = tpu.vector_load %arg8[%get3A] {strides = array<i32>} : memref<128xi32, #tpu.memory_space<vmem>>, vector<16xi32>,
    %get3A_12 = arith.constant 16 : index
    %get3A_13 = tpu.vector_load %arg8[%get3A_12] {strides = array<i32>} : memref<128xi32, #tpu.memory_space<vmem>>, vector<16xi32>,
    %get3A_14 = arith.constant 32 : index
    %get3A_15 = tpu.vector_load %arg8[%get3A_14] {strides = array<i32>} : memref<128xi32, #tpu.memory_space<vmem>>, vector<16xi32>,
    %get3A_16 = arith.constant 48 : index
    %get3A_17 = tpu.vector_load %arg8[%get3A_16] {strides = array<i32>} : memref<128xi32, #tpu.memory_space<vmem>>, vector<16xi32>,
    %get3A_18 = arith.constant 64 : index
    %get3A_19 = tpu.vector_load %arg8[%get3A_18] {strides = array<i32>} : memref<128xi32, #tpu.memory_space<vmem>>, vector<16xi32>,
    %get3A_20 = arith.constant 80 : index
    %get3A_21 = tpu.vector_load %arg8[%get3A_20] {strides = array<i32>} : memref<128xi32, #tpu.memory_space<vmem>>, vector<16xi32>,
    %get3A_22 = arith.constant 96 : index
    %get3A_23 = tpu.vector_load %arg8[%get3A_22] {strides = array<i32>} : memref<128xi32, #tpu.memory_space<vmem>>, vector<16xi32>,
    %get3A_24 = arith.constant 112 : index
    %get3A_25 = tpu.vector_load %arg8[%get3A_24] {strides = array<i32>} : memref<128xi32, #tpu.memory_space<vmem>>, vector<16xi32>,
    tpu.vector_store_idx %arg9[%get3A_11], %broadcast_in_dim3A_8 : memref<32000xf32, #tpu.memory_space<vmem>>[vector<16xi32>], vector<16xf32>,
    tpu.vector_store_idx %arg9[%get3A_13], %broadcast_in_dim3A_8 : memref<32000xf32, #tpu.memory_space<vmem>>[vector<16xi32>], vector<16xf32>,
    tpu.vector_store_idx %arg9[%get3A_15], %broadcast_in_dim3A_8 : memref<32000xf32, #tpu.memory_space<vmem>>[vector<16xi32>], vector<16xf32>,
    tpu.vector_store_idx %arg9[%get3A_17], %broadcast_in_dim3A_8 : memref<32000xf32, #tpu.memory_space<vmem>>[vector<16xi32>], vector<16xf32>,
    tpu.vector_store_idx %arg9[%get3A_19], %broadcast_in_dim3A_8 : memref<32000xf32, #tpu.memory_space<vmem>>[vector<16xi32>], vector<16xf32>,
    tpu.vector_store_idx %arg9[%get3A_21], %broadcast_in_dim3A_8 : memref<32000xf32, #tpu.memory_space<vmem>>[vector<16xi32>], vector<16xf32>,
    tpu.vector_store_idx %arg9[%get3A_23], %broadcast_in_dim3A_8 : memref<32000xf32, #tpu.memory_space<vmem>>[vector<16xi32>], vector<16xf32>,
    tpu.vector_store_idx %arg9[%get3A_25], %broadcast_in_dim3A_8 : memref<32000xf32, #tpu.memory_space<vmem>>[vector<16xi32>], vector<16xf32>,
    %dma_wait3A = arith.constant 0 : i32
    %dma_wait3A_26 = arith.constant 0 : i32
    %dma_wait3A_27 = tpu.memref_slice %arg2[%add3A, %dma_wait3A, %dma_wait3A_26] : memref<32x16x128xi32, #tpu.memory_space<hbm>> -> memref<1x16x128xi32, #tpu.memory_space<hbm>>
    %dma_wait3A_28 = tpu.memref_squeeze %dma_wait3A_27 : memref<1x16x128xi32, #tpu.memory_space<hbm>> -> memref<16x128xi32, #tpu.memory_space<hbm>>
    %dma_wait3A_29 = arith.constant 0 : i32
    %dma_wait3A_30 = arith.constant 0 : i32
    %dma_wait3A_31 = tpu.memref_slice %arg2[%add3A, %dma_wait3A_29, %dma_wait3A_30] : memref<32x16x128xi32, #tpu.memory_space<hbm>> -> memref<1x16x128xi32, #tpu.memory_space<hbm>>
    %dma_wait3A_32 = tpu.memref_squeeze %dma_wait3A_31 : memref<1x16x128xi32, #tpu.memory_space<hbm>> -> memref<16x128xi32, #tpu.memory_space<hbm>>
    tpu.wait_dma2 semaphore(%arg17 : memref<!tpu.dma_semaphore, #tpu.memory_space<semaphore_mem>>) src(%dma_wait3A_32 : memref<16x128xi32, #tpu.memory_space<hbm>>) dst(%arg7 : memref<16x128xi32, #tpu.memory_space<vmem>>)
    %scan3A = arith.constant 0 : i32
    %scan3A_33 = arith.constant 0 : i32
    %scan3A_34 = arith.constant 128 : i32
    %scan3A_35 = arith.addi %scan3A_33, %scan3A_34 : i32
    %scan3A_36 = arith.constant 4 : i32
    scf.for %scan3A_301 = %scan3A_33 to %scan3A_35 step %scan3A_36  : i32 {
      %shift_right_arithmetic3A_302 = arith.constant 3 : i32
      %shift_right_arithmetic3A_303 = arith.shrsi %scan3A_301, %shift_right_arithmetic3A_302 : i32
      %and3A = arith.constant 7 : i32
      %and3A_304 = arith.andi %scan3A_301, %and3A : i32
      %mul3A_305 = arith.constant 16 : i32
      %mul3A_306 = arith.muli %and3A_304, %mul3A_305 : i32
      %get3A_307 = arith.index_cast %shift_right_arithmetic3A_303 : i32 to index
      %get3A_308 = arith.index_cast %mul3A_306 : i32 to index
      %get3A_309 = tpu.vector_load %arg7[%get3A_307, %get3A_308] {strides = array<i32>} : memref<16x128xi32, #tpu.memory_space<vmem>>, vector<16xi32>,
      tpu.vector_store_idx %arg9[%get3A_309], %broadcast_in_dim3A_8 : memref<32000xf32, #tpu.memory_space<vmem>>[vector<16xi32>], vector<16xf32>,
      %scan3A_310 = arith.constant 1 : i32
      %scan3A_311 = arith.addi %scan3A_301, %scan3A_310 : i32
      %shift_right_arithmetic3A_312 = arith.constant 3 : i32
      %shift_right_arithmetic3A_313 = arith.shrsi %scan3A_311, %shift_right_arithmetic3A_312 : i32
      %and3A_314 = arith.constant 7 : i32
      %and3A_315 = arith.andi %scan3A_311, %and3A_314 : i32
      %mul3A_316 = arith.constant 16 : i32
      %mul3A_317 = arith.muli %and3A_315, %mul3A_316 : i32
      %get3A_318 = arith.index_cast %shift_right_arithmetic3A_313 : i32 to index
      %get3A_319 = arith.index_cast %mul3A_317 : i32 to index
      %get3A_320 = tpu.vector_load %arg7[%get3A_318, %get3A_319] {strides = array<i32>} : memref<16x128xi32, #tpu.memory_space<vmem>>, vector<16xi32>,
      tpu.vector_store_idx %arg9[%get3A_320], %broadcast_in_dim3A_8 : memref<32000xf32, #tpu.memory_space<vmem>>[vector<16xi32>], vector<16xf32>,
      %scan3A_321 = arith.constant 2 : i32
      %scan3A_322 = arith.addi %scan3A_301, %scan3A_321 : i32
      %shift_right_arithmetic3A_323 = arith.constant 3 : i32
      %shift_right_arithmetic3A_324 = arith.shrsi %scan3A_322, %shift_right_arithmetic3A_323 : i32
      %and3A_325 = arith.constant 7 : i32
      %and3A_326 = arith.andi %scan3A_322, %and3A_325 : i32
      %mul3A_327 = arith.constant 16 : i32
      %mul3A_328 = arith.muli %and3A_326, %mul3A_327 : i32
      %get3A_329 = arith.index_cast %shift_right_arithmetic3A_324 : i32 to index
      %get3A_330 = arith.index_cast %mul3A_328 : i32 to index
      %get3A_331 = tpu.vector_load %arg7[%get3A_329, %get3A_330] {strides = array<i32>} : memref<16x128xi32, #tpu.memory_space<vmem>>, vector<16xi32>,
      tpu.vector_store_idx %arg9[%get3A_331], %broadcast_in_dim3A_8 : memref<32000xf32, #tpu.memory_space<vmem>>[vector<16xi32>], vector<16xf32>,
      %scan3A_332 = arith.constant 3 : i32
      %scan3A_333 = arith.addi %scan3A_301, %scan3A_332 : i32
      %shift_right_arithmetic3A_334 = arith.constant 3 : i32
      %shift_right_arithmetic3A_335 = arith.shrsi %scan3A_333, %shift_right_arithmetic3A_334 : i32
      %and3A_336 = arith.constant 7 : i32
      %and3A_337 = arith.andi %scan3A_333, %and3A_336 : i32
      %mul3A_338 = arith.constant 16 : i32
      %mul3A_339 = arith.muli %and3A_337, %mul3A_338 : i32
      %get3A_340 = arith.index_cast %shift_right_arithmetic3A_335 : i32 to index
      %get3A_341 = arith.index_cast %mul3A_339 : i32 to index
      %get3A_342 = tpu.vector_load %arg7[%get3A_340, %get3A_341] {strides = array<i32>} : memref<16x128xi32, #tpu.memory_space<vmem>>, vector<16xi32>,
      tpu.vector_store_idx %arg9[%get3A_342], %broadcast_in_dim3A_8 : memref<32000xf32, #tpu.memory_space<vmem>>[vector<16xi32>], vector<16xf32>,
    }
    %scan3A_37 = arith.constant 128 : i32
    %ne3A = arith.constant 0 : i32
    %ne3A_38 = vector.broadcast %ne3A : i32 to vector<16xi32>
    %ne3A_39 = arith.cmpi ne, %get3A_11, %ne3A_38 : vector<16xi32>
    tpu.vector_store_idx %arg9[%get3A_11], %broadcast_in_dim3A_10 masked %ne3A_39 {add = true} : memref<32000xf32, #tpu.memory_space<vmem>>[vector<16xi32>], vector<16xf32>, vector<16xi1>
    %ne3A_40 = arith.constant 0 : i32
    %ne3A_41 = vector.broadcast %ne3A_40 : i32 to vector<16xi32>
    %ne3A_42 = arith.cmpi ne, %get3A_13, %ne3A_41 : vector<16xi32>
    tpu.vector_store_idx %arg9[%get3A_13], %broadcast_in_dim3A_10 masked %ne3A_42 {add = true} : memref<32000xf32, #tpu.memory_space<vmem>>[vector<16xi32>], vector<16xf32>, vector<16xi1>
    %ne3A_43 = arith.constant 0 : i32
    %ne3A_44 = vector.broadcast %ne3A_43 : i32 to vector<16xi32>
    %ne3A_45 = arith.cmpi ne, %get3A_15, %ne3A_44 : vector<16xi32>
    tpu.vector_store_idx %arg9[%get3A_15], %broadcast_in_dim3A_10 masked %ne3A_45 {add = true} : memref<32000xf32, #tpu.memory_space<vmem>>[vector<16xi32>], vector<16xf32>, vector<16xi1>
    %ne3A_46 = arith.constant 0 : i32
    %ne3A_47 = vector.broadcast %ne3A_46 : i32 to vector<16xi32>
    %ne3A_48 = arith.cmpi ne, %get3A_17, %ne3A_47 : vector<16xi32>
    tpu.vector_store_idx %arg9[%get3A_17], %broadcast_in_dim3A_10 masked %ne3A_48 {add = true} : memref<32000xf32, #tpu.memory_space<vmem>>[vector<16xi32>], vector<16xf32>, vector<16xi1>
    %ne3A_49 = arith.constant 0 : i32
    %ne3A_50 = vector.broadcast %ne3A_49 : i32 to vector<16xi32>
    %ne3A_51 = arith.cmpi ne, %get3A_19, %ne3A_50 : vector<16xi32>
    tpu.vector_store_idx %arg9[%get3A_19], %broadcast_in_dim3A_10 masked %ne3A_51 {add = true} : memref<32000xf32, #tpu.memory_space<vmem>>[vector<16xi32>], vector<16xf32>, vector<16xi1>
    %ne3A_52 = arith.constant 0 : i32
    %ne3A_53 = vector.broadcast %ne3A_52 : i32 to vector<16xi32>
    %ne3A_54 = arith.cmpi ne, %get3A_21, %ne3A_53 : vector<16xi32>
    tpu.vector_store_idx %arg9[%get3A_21], %broadcast_in_dim3A_10 masked %ne3A_54 {add = true} : memref<32000xf32, #tpu.memory_space<vmem>>[vector<16xi32>], vector<16xf32>, vector<16xi1>
    %ne3A_55 = arith.constant 0 : i32
    %ne3A_56 = vector.broadcast %ne3A_55 : i32 to vector<16xi32>
    %ne3A_57 = arith.cmpi ne, %get3A_23, %ne3A_56 : vector<16xi32>
    tpu.vector_store_idx %arg9[%get3A_23], %broadcast_in_dim3A_10 masked %ne3A_57 {add = true} : memref<32000xf32, #tpu.memory_space<vmem>>[vector<16xi32>], vector<16xf32>, vector<16xi1>
    %ne3A_58 = arith.constant 0 : i32
    %ne3A_59 = vector.broadcast %ne3A_58 : i32 to vector<16xi32>
    %ne3A_60 = arith.cmpi ne, %get3A_25, %ne3A_59 : vector<16xi32>
    tpu.vector_store_idx %arg9[%get3A_25], %broadcast_in_dim3A_10 masked %ne3A_60 {add = true} : memref<32000xf32, #tpu.memory_space<vmem>>[vector<16xi32>], vector<16xf32>, vector<16xi1>
    %gather3A = tpu.vector_load_idx %arg9[%get3A_11] : memref<32000xf32, #tpu.memory_space<vmem>>[vector<16xi32>], vector<16xf32>,
    %add3A_61 = arith.addf %broadcast_in_dim3A_8, %gather3A : vector<16xf32>
    %gather3A_62 = tpu.vector_load_idx %arg9[%get3A_13] : memref<32000xf32, #tpu.memory_space<vmem>>[vector<16xi32>], vector<16xf32>,
    %add3A_63 = arith.addf %add3A_61, %gather3A_62 : vector<16xf32>
    %gather3A_64 = tpu.vector_load_idx %arg9[%get3A_15] : memref<32000xf32, #tpu.memory_space<vmem>>[vector<16xi32>], vector<16xf32>,
    %add3A_65 = arith.addf %add3A_63, %gather3A_64 : vector<16xf32>
    %gather3A_66 = tpu.vector_load_idx %arg9[%get3A_17] : memref<32000xf32, #tpu.memory_space<vmem>>[vector<16xi32>], vector<16xf32>,
    %add3A_67 = arith.addf %add3A_65, %gather3A_66 : vector<16xf32>
    %gather3A_68 = tpu.vector_load_idx %arg9[%get3A_19] : memref<32000xf32, #tpu.memory_space<vmem>>[vector<16xi32>], vector<16xf32>,
    %add3A_69 = arith.addf %add3A_67, %gather3A_68 : vector<16xf32>
    %gather3A_70 = tpu.vector_load_idx %arg9[%get3A_21] : memref<32000xf32, #tpu.memory_space<vmem>>[vector<16xi32>], vector<16xf32>,
    %add3A_71 = arith.addf %add3A_69, %gather3A_70 : vector<16xf32>
    %gather3A_72 = tpu.vector_load_idx %arg9[%get3A_23] : memref<32000xf32, #tpu.memory_space<vmem>>[vector<16xi32>], vector<16xf32>,
    %add3A_73 = arith.addf %add3A_71, %gather3A_72 : vector<16xf32>
    %gather3A_74 = tpu.vector_load_idx %arg9[%get3A_25] : memref<32000xf32, #tpu.memory_space<vmem>>[vector<16xi32>], vector<16xf32>,
    %add3A_75 = arith.addf %add3A_73, %gather3A_74 : vector<16xf32>
    %reduce_sum3A = arith.constant true
    %reduce_sum3A_76 = vector.broadcast %reduce_sum3A : i1 to vector<16xi1>
    %reduce_sum3A_77 = tpu.scan <sum>, %add3A_75 masked %reduce_sum3A_76 : vector<16xf32>, vector<16xi1> -> vector<16xf32>
    %reduce_sum3A_78 = vector.extract %reduce_sum3A_77[15] : f32 from vector<16xf32>
    %scan3A_79 = arith.constant 0 : i32
    %scan3A_80 = arith.constant 8 : i32
    %scan3A_81 = arith.addi %scan3A_79, %scan3A_80 : i32
    %scan3A_82 = arith.constant 1 : i32
    %scan3A_83:2 = scf.for %scan3A_301 = %scan3A_79 to %scan3A_81 step %scan3A_82 iter_args(%scan3A_302 = %broadcast_in_dim3A_8, %scan3A_303 = %broadcast_in_dim3A_8) -> (vector<16xf32>, vector<16xf32>)  : i32 {
      %mul3A_304 = arith.constant 2 : i32
      %mul3A_305 = arith.muli %mul3A_304, %scan3A_301 : i32
      %mul3A_306 = arith.constant 2 : i32
      %mul3A_307 = arith.muli %mul3A_306, %scan3A_301 : i32
      %add3A_308 = arith.constant 1 : i32
      %add3A_309 = arith.addi %mul3A_307, %add3A_308 : i32
      %get3A_310 = arith.index_cast %mul3A_305 : i32 to index
      %get3A_311 = arith.constant 0 : index
      %get3A_312 = tpu.vector_load %arg7[%get3A_310, %get3A_311] {strides = array<i32>} : memref<16x128xi32, #tpu.memory_space<vmem>>, vector<16xi32>,
      %get3A_313 = arith.index_cast %mul3A_305 : i32 to index
      %get3A_314 = arith.constant 16 : index
      %get3A_315 = tpu.vector_load %arg7[%get3A_313, %get3A_314] {strides = array<i32>} : memref<16x128xi32, #tpu.memory_space<vmem>>, vector<16xi32>,
      %get3A_316 = arith.index_cast %mul3A_305 : i32 to index
      %get3A_317 = arith.constant 32 : index
      %get3A_318 = tpu.vector_load %arg7[%get3A_316, %get3A_317] {strides = array<i32>} : memref<16x128xi32, #tpu.memory_space<vmem>>, vector<16xi32>,
      %get3A_319 = arith.index_cast %mul3A_305 : i32 to index
      %get3A_320 = arith.constant 48 : index
      %get3A_321 = tpu.vector_load %arg7[%get3A_319, %get3A_320] {strides = array<i32>} : memref<16x128xi32, #tpu.memory_space<vmem>>, vector<16xi32>,
      %get3A_322 = arith.index_cast %mul3A_305 : i32 to index
      %get3A_323 = arith.constant 64 : index
      %get3A_324 = tpu.vector_load %arg7[%get3A_322, %get3A_323] {strides = array<i32>} : memref<16x128xi32, #tpu.memory_space<vmem>>, vector<16xi32>,
      %get3A_325 = arith.index_cast %mul3A_305 : i32 to index
      %get3A_326 = arith.constant 80 : index
      %get3A_327 = tpu.vector_load %arg7[%get3A_325, %get3A_326] {strides = array<i32>} : memref<16x128xi32, #tpu.memory_space<vmem>>, vector<16xi32>,
      %get3A_328 = arith.index_cast %mul3A_305 : i32 to index
      %get3A_329 = arith.constant 96 : index
      %get3A_330 = tpu.vector_load %arg7[%get3A_328, %get3A_329] {strides = array<i32>} : memref<16x128xi32, #tpu.memory_space<vmem>>, vector<16xi32>,
      %get3A_331 = arith.index_cast %mul3A_305 : i32 to index
      %get3A_332 = arith.constant 112 : index
      %get3A_333 = tpu.vector_load %arg7[%get3A_331, %get3A_332] {strides = array<i32>} : memref<16x128xi32, #tpu.memory_space<vmem>>, vector<16xi32>,
      %get3A_334 = arith.index_cast %add3A_309 : i32 to index
      %get3A_335 = arith.constant 0 : index
      %get3A_336 = tpu.vector_load %arg7[%get3A_334, %get3A_335] {strides = array<i32>} : memref<16x128xi32, #tpu.memory_space<vmem>>, vector<16xi32>,
      %get3A_337 = arith.index_cast %add3A_309 : i32 to index
      %get3A_338 = arith.constant 16 : index
      %get3A_339 = tpu.vector_load %arg7[%get3A_337, %get3A_338] {strides = array<i32>} : memref<16x128xi32, #tpu.memory_space<vmem>>, vector<16xi32>,
      %get3A_340 = arith.index_cast %add3A_309 : i32 to index
      %get3A_341 = arith.constant 32 : index
      %get3A_342 = tpu.vector_load %arg7[%get3A_340, %get3A_341] {strides = array<i32>} : memref<16x128xi32, #tpu.memory_space<vmem>>, vector<16xi32>,
      %get3A_343 = arith.index_cast %add3A_309 : i32 to index
      %get3A_344 = arith.constant 48 : index
      %get3A_345 = tpu.vector_load %arg7[%get3A_343, %get3A_344] {strides = array<i32>} : memref<16x128xi32, #tpu.memory_space<vmem>>, vector<16xi32>,
      %get3A_346 = arith.index_cast %add3A_309 : i32 to index
      %get3A_347 = arith.constant 64 : index
      %get3A_348 = tpu.vector_load %arg7[%get3A_346, %get3A_347] {strides = array<i32>} : memref<16x128xi32, #tpu.memory_space<vmem>>, vector<16xi32>,
      %get3A_349 = arith.index_cast %add3A_309 : i32 to index
      %get3A_350 = arith.constant 80 : index
      %get3A_351 = tpu.vector_load %arg7[%get3A_349, %get3A_350] {strides = array<i32>} : memref<16x128xi32, #tpu.memory_space<vmem>>, vector<16xi32>,
      %get3A_352 = arith.index_cast %add3A_309 : i32 to index
      %get3A_353 = arith.constant 96 : index
      %get3A_354 = tpu.vector_load %arg7[%get3A_352, %get3A_353] {strides = array<i32>} : memref<16x128xi32, #tpu.memory_space<vmem>>, vector<16xi32>,
      %get3A_355 = arith.index_cast %add3A_309 : i32 to index
      %get3A_356 = arith.constant 112 : index
      %get3A_357 = tpu.vector_load %arg7[%get3A_355, %get3A_356] {strides = array<i32>} : memref<16x128xi32, #tpu.memory_space<vmem>>, vector<16xi32>,
      %gather3A_358 = tpu.vector_load_idx %arg9[%get3A_312] : memref<32000xf32, #tpu.memory_space<vmem>>[vector<16xi32>], vector<16xf32>,
      %add3A_359 = arith.addf %broadcast_in_dim3A_8, %gather3A_358 : vector<16xf32>
      tpu.vector_store_idx %arg10[%get3A_312], %broadcast_in_dim3A_8 : memref<32000xf32, #tpu.memory_space<vmem>>[vector<16xi32>], vector<16xf32>,
      %gather3A_360 = tpu.vector_load_idx %arg9[%get3A_336] : memref<32000xf32, #tpu.memory_space<vmem>>[vector<16xi32>], vector<16xf32>,
      %add3A_361 = arith.addf %broadcast_in_dim3A_8, %gather3A_360 : vector<16xf32>
      tpu.vector_store_idx %arg11[%get3A_336], %broadcast_in_dim3A_8 : memref<32000xf32, #tpu.memory_space<vmem>>[vector<16xi32>], vector<16xf32>,
      %gather3A_362 = tpu.vector_load_idx %arg9[%get3A_315] : memref<32000xf32, #tpu.memory_space<vmem>>[vector<16xi32>], vector<16xf32>,
      %add3A_363 = arith.addf %add3A_359, %gather3A_362 : vector<16xf32>
      tpu.vector_store_idx %arg10[%get3A_315], %broadcast_in_dim3A_8 : memref<32000xf32, #tpu.memory_space<vmem>>[vector<16xi32>], vector<16xf32>,
      %gather3A_364 = tpu.vector_load_idx %arg9[%get3A_339] : memref<32000xf32, #tpu.memory_space<vmem>>[vector<16xi32>], vector<16xf32>,
      %add3A_365 = arith.addf %add3A_361, %gather3A_364 : vector<16xf32>
      tpu.vector_store_idx %arg11[%get3A_339], %broadcast_in_dim3A_8 : memref<32000xf32, #tpu.memory_space<vmem>>[vector<16xi32>], vector<16xf32>,
      %gather3A_366 = tpu.vector_load_idx %arg9[%get3A_318] : memref<32000xf32, #tpu.memory_space<vmem>>[vector<16xi32>], vector<16xf32>,
      %add3A_367 = arith.addf %add3A_363, %gather3A_366 : vector<16xf32>
      tpu.vector_store_idx %arg10[%get3A_318], %broadcast_in_dim3A_8 : memref<32000xf32, #tpu.memory_space<vmem>>[vector<16xi32>], vector<16xf32>,
      %gather3A_368 = tpu.vector_load_idx %arg9[%get3A_342] : memref<32000xf32, #tpu.memory_space<vmem>>[vector<16xi32>], vector<16xf32>,
      %add3A_369 = arith.addf %add3A_365, %gather3A_368 : vector<16xf32>
      tpu.vector_store_idx %arg11[%get3A_342], %broadcast_in_dim3A_8 : memref<32000xf32, #tpu.memory_space<vmem>>[vector<16xi32>], vector<16xf32>,
      %gather3A_370 = tpu.vector_load_idx %arg9[%get3A_321] : memref<32000xf32, #tpu.memory_space<vmem>>[vector<16xi32>], vector<16xf32>,
      %add3A_371 = arith.addf %add3A_367, %gather3A_370 : vector<16xf32>
      tpu.vector_store_idx %arg10[%get3A_321], %broadcast_in_dim3A_8 : memref<32000xf32, #tpu.memory_space<vmem>>[vector<16xi32>], vector<16xf32>,
      %gather3A_372 = tpu.vector_load_idx %arg9[%get3A_345] : memref<32000xf32, #tpu.memory_space<vmem>>[vector<16xi32>], vector<16xf32>,
      %add3A_373 = arith.addf %add3A_369, %gather3A_372 : vector<16xf32>
      tpu.vector_store_idx %arg11[%get3A_345], %broadcast_in_dim3A_8 : memref<32000xf32, #tpu.memory_space<vmem>>[vector<16xi32>], vector<16xf32>,
      %gather3A_374 = tpu.vector_load_idx %arg9[%get3A_324] : memref<32000xf32, #tpu.memory_space<vmem>>[vector<16xi32>], vector<16xf32>,
      %add3A_375 = arith.addf %add3A_371, %gather3A_374 : vector<16xf32>
      tpu.vector_store_idx %arg10[%get3A_324], %broadcast_in_dim3A_8 : memref<32000xf32, #tpu.memory_space<vmem>>[vector<16xi32>], vector<16xf32>,
      %gather3A_376 = tpu.vector_load_idx %arg9[%get3A_348] : memref<32000xf32, #tpu.memory_space<vmem>>[vector<16xi32>], vector<16xf32>,
      %add3A_377 = arith.addf %add3A_373, %gather3A_376 : vector<16xf32>
      tpu.vector_store_idx %arg11[%get3A_348], %broadcast_in_dim3A_8 : memref<32000xf32, #tpu.memory_space<vmem>>[vector<16xi32>], vector<16xf32>,
      %gather3A_378 = tpu.vector_load_idx %arg9[%get3A_327] : memref<32000xf32, #tpu.memory_space<vmem>>[vector<16xi32>], vector<16xf32>,
      %add3A_379 = arith.addf %add3A_375, %gather3A_378 : vector<16xf32>
      tpu.vector_store_idx %arg10[%get3A_327], %broadcast_in_dim3A_8 : memref<32000xf32, #tpu.memory_space<vmem>>[vector<16xi32>], vector<16xf32>,
      %gather3A_380 = tpu.vector_load_idx %arg9[%get3A_351] : memref<32000xf32, #tpu.memory_space<vmem>>[vector<16xi32>], vector<16xf32>,
      %add3A_381 = arith.addf %add3A_377, %gather3A_380 : vector<16xf32>
      tpu.vector_store_idx %arg11[%get3A_351], %broadcast_in_dim3A_8 : memref<32000xf32, #tpu.memory_space<vmem>>[vector<16xi32>], vector<16xf32>,
      %gather3A_382 = tpu.vector_load_idx %arg9[%get3A_330] : memref<32000xf32, #tpu.memory_space<vmem>>[vector<16xi32>], vector<16xf32>,
      %add3A_383 = arith.addf %add3A_379, %gather3A_382 : vector<16xf32>
      tpu.vector_store_idx %arg10[%get3A_330], %broadcast_in_dim3A_8 : memref<32000xf32, #tpu.memory_space<vmem>>[vector<16xi32>], vector<16xf32>,
      %gather3A_384 = tpu.vector_load_idx %arg9[%get3A_354] : memref<32000xf32, #tpu.memory_space<vmem>>[vector<16xi32>], vector<16xf32>,
      %add3A_385 = arith.addf %add3A_381, %gather3A_384 : vector<16xf32>
      tpu.vector_store_idx %arg11[%get3A_354], %broadcast_in_dim3A_8 : memref<32000xf32, #tpu.memory_space<vmem>>[vector<16xi32>], vector<16xf32>,
      %gather3A_386 = tpu.vector_load_idx %arg9[%get3A_333] : memref<32000xf32, #tpu.memory_space<vmem>>[vector<16xi32>], vector<16xf32>,
      %add3A_387 = arith.addf %add3A_383, %gather3A_386 : vector<16xf32>
      tpu.vector_store_idx %arg10[%get3A_333], %broadcast_in_dim3A_8 : memref<32000xf32, #tpu.memory_space<vmem>>[vector<16xi32>], vector<16xf32>,
      %gather3A_388 = tpu.vector_load_idx %arg9[%get3A_357] : memref<32000xf32, #tpu.memory_space<vmem>>[vector<16xi32>], vector<16xf32>,
      %add3A_389 = arith.addf %add3A_385, %gather3A_388 : vector<16xf32>
      tpu.vector_store_idx %arg11[%get3A_357], %broadcast_in_dim3A_8 : memref<32000xf32, #tpu.memory_space<vmem>>[vector<16xi32>], vector<16xf32>,
      %ne3A_390 = arith.constant 0 : i32
      %ne3A_391 = vector.broadcast %ne3A_390 : i32 to vector<16xi32>
      %ne3A_392 = arith.cmpi ne, %get3A_312, %ne3A_391 : vector<16xi32>
      tpu.vector_store_idx %arg10[%get3A_312], %broadcast_in_dim3A_10 masked %ne3A_392 {add = true} : memref<32000xf32, #tpu.memory_space<vmem>>[vector<16xi32>], vector<16xf32>, vector<16xi1>
      %ne3A_393 = arith.constant 0 : i32
      %ne3A_394 = vector.broadcast %ne3A_393 : i32 to vector<16xi32>
      %ne3A_395 = arith.cmpi ne, %get3A_336, %ne3A_394 : vector<16xi32>
      tpu.vector_store_idx %arg11[%get3A_336], %broadcast_in_dim3A_10 masked %ne3A_395 {add = true} : memref<32000xf32, #tpu.memory_space<vmem>>[vector<16xi32>], vector<16xf32>, vector<16xi1>
      %ne3A_396 = arith.constant 0 : i32
      %ne3A_397 = vector.broadcast %ne3A_396 : i32 to vector<16xi32>
      %ne3A_398 = arith.cmpi ne, %get3A_315, %ne3A_397 : vector<16xi32>
      tpu.vector_store_idx %arg10[%get3A_315], %broadcast_in_dim3A_10 masked %ne3A_398 {add = true} : memref<32000xf32, #tpu.memory_space<vmem>>[vector<16xi32>], vector<16xf32>, vector<16xi1>
      %ne3A_399 = arith.constant 0 : i32
      %ne3A_400 = vector.broadcast %ne3A_399 : i32 to vector<16xi32>
      %ne3A_401 = arith.cmpi ne, %get3A_339, %ne3A_400 : vector<16xi32>
      tpu.vector_store_idx %arg11[%get3A_339], %broadcast_in_dim3A_10 masked %ne3A_401 {add = true} : memref<32000xf32, #tpu.memory_space<vmem>>[vector<16xi32>], vector<16xf32>, vector<16xi1>
      %ne3A_402 = arith.constant 0 : i32
      %ne3A_403 = vector.broadcast %ne3A_402 : i32 to vector<16xi32>
      %ne3A_404 = arith.cmpi ne, %get3A_318, %ne3A_403 : vector<16xi32>
      tpu.vector_store_idx %arg10[%get3A_318], %broadcast_in_dim3A_10 masked %ne3A_404 {add = true} : memref<32000xf32, #tpu.memory_space<vmem>>[vector<16xi32>], vector<16xf32>, vector<16xi1>
      %ne3A_405 = arith.constant 0 : i32
      %ne3A_406 = vector.broadcast %ne3A_405 : i32 to vector<16xi32>
      %ne3A_407 = arith.cmpi ne, %get3A_342, %ne3A_406 : vector<16xi32>
      tpu.vector_store_idx %arg11[%get3A_342], %broadcast_in_dim3A_10 masked %ne3A_407 {add = true} : memref<32000xf32, #tpu.memory_space<vmem>>[vector<16xi32>], vector<16xf32>, vector<16xi1>
      %ne3A_408 = arith.constant 0 : i32
      %ne3A_409 = vector.broadcast %ne3A_408 : i32 to vector<16xi32>
      %ne3A_410 = arith.cmpi ne, %get3A_321, %ne3A_409 : vector<16xi32>
      tpu.vector_store_idx %arg10[%get3A_321], %broadcast_in_dim3A_10 masked %ne3A_410 {add = true} : memref<32000xf32, #tpu.memory_space<vmem>>[vector<16xi32>], vector<16xf32>, vector<16xi1>
      %ne3A_411 = arith.constant 0 : i32
      %ne3A_412 = vector.broadcast %ne3A_411 : i32 to vector<16xi32>
      %ne3A_413 = arith.cmpi ne, %get3A_345, %ne3A_412 : vector<16xi32>
      tpu.vector_store_idx %arg11[%get3A_345], %broadcast_in_dim3A_10 masked %ne3A_413 {add = true} : memref<32000xf32, #tpu.memory_space<vmem>>[vector<16xi32>], vector<16xf32>, vector<16xi1>
      %ne3A_414 = arith.constant 0 : i32
      %ne3A_415 = vector.broadcast %ne3A_414 : i32 to vector<16xi32>
      %ne3A_416 = arith.cmpi ne, %get3A_324, %ne3A_415 : vector<16xi32>
      tpu.vector_store_idx %arg10[%get3A_324], %broadcast_in_dim3A_10 masked %ne3A_416 {add = true} : memref<32000xf32, #tpu.memory_space<vmem>>[vector<16xi32>], vector<16xf32>, vector<16xi1>
      %ne3A_417 = arith.constant 0 : i32
      %ne3A_418 = vector.broadcast %ne3A_417 : i32 to vector<16xi32>
      %ne3A_419 = arith.cmpi ne, %get3A_348, %ne3A_418 : vector<16xi32>
      tpu.vector_store_idx %arg11[%get3A_348], %broadcast_in_dim3A_10 masked %ne3A_419 {add = true} : memref<32000xf32, #tpu.memory_space<vmem>>[vector<16xi32>], vector<16xf32>, vector<16xi1>
      %ne3A_420 = arith.constant 0 : i32
      %ne3A_421 = vector.broadcast %ne3A_420 : i32 to vector<16xi32>
      %ne3A_422 = arith.cmpi ne, %get3A_327, %ne3A_421 : vector<16xi32>
      tpu.vector_store_idx %arg10[%get3A_327], %broadcast_in_dim3A_10 masked %ne3A_422 {add = true} : memref<32000xf32, #tpu.memory_space<vmem>>[vector<16xi32>], vector<16xf32>, vector<16xi1>
      %ne3A_423 = arith.constant 0 : i32
      %ne3A_424 = vector.broadcast %ne3A_423 : i32 to vector<16xi32>
      %ne3A_425 = arith.cmpi ne, %get3A_351, %ne3A_424 : vector<16xi32>
      tpu.vector_store_idx %arg11[%get3A_351], %broadcast_in_dim3A_10 masked %ne3A_425 {add = true} : memref<32000xf32, #tpu.memory_space<vmem>>[vector<16xi32>], vector<16xf32>, vector<16xi1>
      %ne3A_426 = arith.constant 0 : i32
      %ne3A_427 = vector.broadcast %ne3A_426 : i32 to vector<16xi32>
      %ne3A_428 = arith.cmpi ne, %get3A_330, %ne3A_427 : vector<16xi32>
      tpu.vector_store_idx %arg10[%get3A_330], %broadcast_in_dim3A_10 masked %ne3A_428 {add = true} : memref<32000xf32, #tpu.memory_space<vmem>>[vector<16xi32>], vector<16xf32>, vector<16xi1>
      %ne3A_429 = arith.constant 0 : i32
      %ne3A_430 = vector.broadcast %ne3A_429 : i32 to vector<16xi32>
      %ne3A_431 = arith.cmpi ne, %get3A_354, %ne3A_430 : vector<16xi32>
      tpu.vector_store_idx %arg11[%get3A_354], %broadcast_in_dim3A_10 masked %ne3A_431 {add = true} : memref<32000xf32, #tpu.memory_space<vmem>>[vector<16xi32>], vector<16xf32>, vector<16xi1>
      %ne3A_432 = arith.constant 0 : i32
      %ne3A_433 = vector.broadcast %ne3A_432 : i32 to vector<16xi32>
      %ne3A_434 = arith.cmpi ne, %get3A_333, %ne3A_433 : vector<16xi32>
      tpu.vector_store_idx %arg10[%get3A_333], %broadcast_in_dim3A_10 masked %ne3A_434 {add = true} : memref<32000xf32, #tpu.memory_space<vmem>>[vector<16xi32>], vector<16xf32>, vector<16xi1>
      %ne3A_435 = arith.constant 0 : i32
      %ne3A_436 = vector.broadcast %ne3A_435 : i32 to vector<16xi32>
      %ne3A_437 = arith.cmpi ne, %get3A_357, %ne3A_436 : vector<16xi32>
      tpu.vector_store_idx %arg11[%get3A_357], %broadcast_in_dim3A_10 masked %ne3A_437 {add = true} : memref<32000xf32, #tpu.memory_space<vmem>>[vector<16xi32>], vector<16xf32>, vector<16xi1>
      %gather3A_438 = tpu.vector_load_idx %arg10[%get3A_312] : memref<32000xf32, #tpu.memory_space<vmem>>[vector<16xi32>], vector<16xf32>,
      %add3A_439 = arith.addf %broadcast_in_dim3A_8, %gather3A_438 : vector<16xf32>
      %gather3A_440 = tpu.vector_load_idx %arg11[%get3A_336] : memref<32000xf32, #tpu.memory_space<vmem>>[vector<16xi32>], vector<16xf32>,
      %add3A_441 = arith.addf %broadcast_in_dim3A_8, %gather3A_440 : vector<16xf32>
      %gather3A_442 = tpu.vector_load_idx %arg10[%get3A_315] : memref<32000xf32, #tpu.memory_space<vmem>>[vector<16xi32>], vector<16xf32>,
      %add3A_443 = arith.addf %add3A_439, %gather3A_442 : vector<16xf32>
      %gather3A_444 = tpu.vector_load_idx %arg11[%get3A_339] : memref<32000xf32, #tpu.memory_space<vmem>>[vector<16xi32>], vector<16xf32>,
      %add3A_445 = arith.addf %add3A_441, %gather3A_444 : vector<16xf32>
      %gather3A_446 = tpu.vector_load_idx %arg10[%get3A_318] : memref<32000xf32, #tpu.memory_space<vmem>>[vector<16xi32>], vector<16xf32>,
      %add3A_447 = arith.addf %add3A_443, %gather3A_446 : vector<16xf32>
      %gather3A_448 = tpu.vector_load_idx %arg11[%get3A_342] : memref<32000xf32, #tpu.memory_space<vmem>>[vector<16xi32>], vector<16xf32>,
      %add3A_449 = arith.addf %add3A_445, %gather3A_448 : vector<16xf32>
      %gather3A_450 = tpu.vector_load_idx %arg10[%get3A_321] : memref<32000xf32, #tpu.memory_space<vmem>>[vector<16xi32>], vector<16xf32>,
      %add3A_451 = arith.addf %add3A_447, %gather3A_450 : vector<16xf32>
      %gather3A_452 = tpu.vector_load_idx %arg11[%get3A_345] : memref<32000xf32, #tpu.memory_space<vmem>>[vector<16xi32>], vector<16xf32>,
      %add3A_453 = arith.addf %add3A_449, %gather3A_452 : vector<16xf32>
      %gather3A_454 = tpu.vector_load_idx %arg10[%get3A_324] : memref<32000xf32, #tpu.memory_space<vmem>>[vector<16xi32>], vector<16xf32>,
      %add3A_455 = arith.addf %add3A_451, %gather3A_454 : vector<16xf32>
      %gather3A_456 = tpu.vector_load_idx %arg11[%get3A_348] : memref<32000xf32, #tpu.memory_space<vmem>>[vector<16xi32>], vector<16xf32>,
      %add3A_457 = arith.addf %add3A_453, %gather3A_456 : vector<16xf32>
      %gather3A_458 = tpu.vector_load_idx %arg10[%get3A_327] : memref<32000xf32, #tpu.memory_space<vmem>>[vector<16xi32>], vector<16xf32>,
      %add3A_459 = arith.addf %add3A_455, %gather3A_458 : vector<16xf32>
      %gather3A_460 = tpu.vector_load_idx %arg11[%get3A_351] : memref<32000xf32, #tpu.memory_space<vmem>>[vector<16xi32>], vector<16xf32>,
      %add3A_461 = arith.addf %add3A_457, %gather3A_460 : vector<16xf32>
      %gather3A_462 = tpu.vector_load_idx %arg10[%get3A_330] : memref<32000xf32, #tpu.memory_space<vmem>>[vector<16xi32>], vector<16xf32>,
      %add3A_463 = arith.addf %add3A_459, %gather3A_462 : vector<16xf32>
      %gather3A_464 = tpu.vector_load_idx %arg11[%get3A_354] : memref<32000xf32, #tpu.memory_space<vmem>>[vector<16xi32>], vector<16xf32>,
      %add3A_465 = arith.addf %add3A_461, %gather3A_464 : vector<16xf32>
      %gather3A_466 = tpu.vector_load_idx %arg10[%get3A_333] : memref<32000xf32, #tpu.memory_space<vmem>>[vector<16xi32>], vector<16xf32>,
      %add3A_467 = arith.addf %add3A_463, %gather3A_466 : vector<16xf32>
      %gather3A_468 = tpu.vector_load_idx %arg11[%get3A_357] : memref<32000xf32, #tpu.memory_space<vmem>>[vector<16xi32>], vector<16xf32>,
      %add3A_469 = arith.addf %add3A_465, %gather3A_468 : vector<16xf32>
      %eq3A_470 = vector.broadcast %mul3A_305 : i32 to vector<16xi32>
      %eq3A_471 = arith.cmpi eq, %iota3A, %eq3A_470 : vector<16xi32>
      %reduce_sum3A_472 = arith.constant true
      %reduce_sum3A_473 = vector.broadcast %reduce_sum3A_472 : i1 to vector<16xi1>
      %reduce_sum3A_474 = tpu.scan <sum>, %add3A_467 masked %reduce_sum3A_473 : vector<16xf32>, vector<16xi1> -> vector<16xf32>
      %reduce_sum3A_475 = vector.extract %reduce_sum3A_474[15] : f32 from vector<16xf32>
      %broadcast_in_dim3A_476 = vector.broadcast %reduce_sum3A_475 : f32 to vector<16xf32>
      %select_n3A_477 = arith.select %eq3A_471, %broadcast_in_dim3A_476, %scan3A_302 : vector<16xi1>, vector<16xf32>
      %eq3A_478 = vector.broadcast %add3A_309 : i32 to vector<16xi32>
      %eq3A_479 = arith.cmpi eq, %iota3A, %eq3A_478 : vector<16xi32>
      %reduce_sum3A_480 = arith.constant true
      %reduce_sum3A_481 = vector.broadcast %reduce_sum3A_480 : i1 to vector<16xi1>
      %reduce_sum3A_482 = tpu.scan <sum>, %add3A_469 masked %reduce_sum3A_481 : vector<16xf32>, vector<16xi1> -> vector<16xf32>
      %reduce_sum3A_483 = vector.extract %reduce_sum3A_482[15] : f32 from vector<16xf32>
      %broadcast_in_dim3A_484 = vector.broadcast %reduce_sum3A_483 : f32 to vector<16xf32>
      %select_n3A_485 = arith.select %eq3A_479, %broadcast_in_dim3A_484, %select_n3A_477 : vector<16xi1>, vector<16xf32>
      %eq3A_486 = vector.broadcast %mul3A_305 : i32 to vector<16xi32>
      %eq3A_487 = arith.cmpi eq, %iota3A, %eq3A_486 : vector<16xi32>
      %reduce_sum3A_488 = arith.constant true
      %reduce_sum3A_489 = vector.broadcast %reduce_sum3A_488 : i1 to vector<16xi1>
      %reduce_sum3A_490 = tpu.scan <sum>, %add3A_387 masked %reduce_sum3A_489 : vector<16xf32>, vector<16xi1> -> vector<16xf32>
      %reduce_sum3A_491 = vector.extract %reduce_sum3A_490[15] : f32 from vector<16xf32>
      %broadcast_in_dim3A_492 = vector.broadcast %reduce_sum3A_491 : f32 to vector<16xf32>
      %select_n3A_493 = arith.select %eq3A_487, %broadcast_in_dim3A_492, %scan3A_303 : vector<16xi1>, vector<16xf32>
      %eq3A_494 = vector.broadcast %add3A_309 : i32 to vector<16xi32>
      %eq3A_495 = arith.cmpi eq, %iota3A, %eq3A_494 : vector<16xi32>
      %reduce_sum3A_496 = arith.constant true
      %reduce_sum3A_497 = vector.broadcast %reduce_sum3A_496 : i1 to vector<16xi1>
      %reduce_sum3A_498 = tpu.scan <sum>, %add3A_389 masked %reduce_sum3A_497 : vector<16xf32>, vector<16xi1> -> vector<16xf32>
      %reduce_sum3A_499 = vector.extract %reduce_sum3A_498[15] : f32 from vector<16xf32>
      %broadcast_in_dim3A_500 = vector.broadcast %reduce_sum3A_499 : f32 to vector<16xf32>
      %select_n3A_501 = arith.select %eq3A_495, %broadcast_in_dim3A_500, %select_n3A_493 : vector<16xi1>, vector<16xf32>
      scf.yield %select_n3A_485, %select_n3A_501 : vector<16xf32>, vector<16xf32>
    }
    %scan3A_84 = arith.constant 8 : i32
    %mul3A_85 = vector.broadcast %reduce_sum3A_78 : f32 to vector<16xf32>
    %mul3A_86 = arith.mulf %scan3A_83#0, %mul3A_85 : vector<16xf32>
    %bitcast3A = vector.bitcast %mul3A_86 : vector<16xf32> to vector<16xi32>
    %shift_right_arithmetic3A = arith.constant 1 : i32
    %shift_right_arithmetic3A_87 = vector.broadcast %shift_right_arithmetic3A : i32 to vector<16xi32>
    %shift_right_arithmetic3A_88 = arith.shrsi %bitcast3A, %shift_right_arithmetic3A_87 : vector<16xi32>
    %sub3A = arith.constant 1597463007 : i32
    %sub3A_89 = vector.broadcast %sub3A : i32 to vector<16xi32>
    %sub3A_90 = arith.subi %sub3A_89, %shift_right_arithmetic3A_88 : vector<16xi32>
    %bitcast3A_91 = vector.bitcast %sub3A_90 : vector<16xi32> to vector<16xf32>
    %mul3A_92 = arith.constant 5.000000e-01 : f32
    %mul3A_93 = vector.broadcast %mul3A_92 : f32 to vector<16xf32>
    %mul3A_94 = arith.mulf %mul3A_93, %mul3A_86 : vector<16xf32>
    %mul3A_95 = arith.mulf %mul3A_94, %bitcast3A_91 : vector<16xf32>
    %mul3A_96 = arith.mulf %mul3A_95, %bitcast3A_91 : vector<16xf32>
    %sub3A_97 = arith.constant 1.500000e+00 : f32
    %sub3A_98 = vector.broadcast %sub3A_97 : f32 to vector<16xf32>
    %sub3A_99 = arith.subf %sub3A_98, %mul3A_96 : vector<16xf32>
    %mul3A_100 = arith.mulf %bitcast3A_91, %sub3A_99 : vector<16xf32>
    %mul3A_101 = arith.constant 5.000000e-01 : f32
    %mul3A_102 = vector.broadcast %mul3A_101 : f32 to vector<16xf32>
    %mul3A_103 = arith.mulf %mul3A_102, %mul3A_86 : vector<16xf32>
    %mul3A_104 = arith.mulf %mul3A_103, %mul3A_100 : vector<16xf32>
    %mul3A_105 = arith.mulf %mul3A_104, %mul3A_100 : vector<16xf32>
    %sub3A_106 = arith.constant 1.500000e+00 : f32
    %sub3A_107 = vector.broadcast %sub3A_106 : f32 to vector<16xf32>
    %sub3A_108 = arith.subf %sub3A_107, %mul3A_105 : vector<16xf32>
    %mul3A_109 = arith.mulf %mul3A_100, %sub3A_108 : vector<16xf32>
    %mul3A_110 = arith.constant 5.000000e-01 : f32
    %mul3A_111 = vector.broadcast %mul3A_110 : f32 to vector<16xf32>
    %mul3A_112 = arith.mulf %mul3A_111, %mul3A_86 : vector<16xf32>
    %mul3A_113 = arith.mulf %mul3A_112, %mul3A_109 : vector<16xf32>
    %mul3A_114 = arith.mulf %mul3A_113, %mul3A_109 : vector<16xf32>
    %sub3A_115 = arith.constant 1.500000e+00 : f32
    %sub3A_116 = vector.broadcast %sub3A_115 : f32 to vector<16xf32>
    %sub3A_117 = arith.subf %sub3A_116, %mul3A_114 : vector<16xf32>
    %mul3A_118 = arith.mulf %mul3A_109, %sub3A_117 : vector<16xf32>
    %mul3A_119 = arith.constant 5.000000e-01 : f32
    %mul3A_120 = vector.broadcast %mul3A_119 : f32 to vector<16xf32>
    %mul3A_121 = arith.mulf %mul3A_120, %mul3A_86 : vector<16xf32>
    %mul3A_122 = arith.mulf %mul3A_121, %mul3A_118 : vector<16xf32>
    %mul3A_123 = arith.mulf %mul3A_122, %mul3A_118 : vector<16xf32>
    %sub3A_124 = arith.constant 1.500000e+00 : f32
    %sub3A_125 = vector.broadcast %sub3A_124 : f32 to vector<16xf32>
    %sub3A_126 = arith.subf %sub3A_125, %mul3A_123 : vector<16xf32>
    %mul3A_127 = arith.mulf %mul3A_118, %sub3A_126 : vector<16xf32>
    %mul3A_128 = arith.mulf %scan3A_83#1, %mul3A_127 : vector<16xf32>
    %sort3A = arith.constant dense<true> : vector<16xi1>
    %sort3A_129, %sort3A_130, %sort3A_131 = tpu.sort %mul3A_128, %mul3A_128 masked %sort3A : (vector<16xf32>, vector<16xf32>, vector<16xi1>) -> (vector<16xi1>, vector<16xf32>, vector<16xf32>)
    %reduce_min3A = arith.constant true
    %reduce_min3A_132 = vector.broadcast %reduce_min3A : i1 to vector<16xi1>
    %reduce_min3A_133 = tpu.scan <min>, %mul3A_128 masked %reduce_min3A_132 : vector<16xf32>, vector<16xi1> -> vector<16xf32>
    %reduce_min3A_134 = vector.extract %reduce_min3A_133[15] : f32 from vector<16xf32>
    %eq3A = vector.broadcast %reduce_min3A_134 : f32 to vector<16xf32>
    %eq3A_135 = arith.cmpf oeq, %mul3A_128, %eq3A : vector<16xf32>
    %broadcast_in_dim3A_136 = arith.constant 16 : i32
    %broadcast_in_dim3A_137 = vector.broadcast %broadcast_in_dim3A_136 : i32 to vector<16xi32>
    %select_n3A = arith.select %eq3A_135, %iota3A, %broadcast_in_dim3A_137 : vector<16xi1>, vector<16xi32>
    %reduce_min3A_138 = arith.constant true
    %reduce_min3A_139 = vector.broadcast %reduce_min3A_138 : i1 to vector<16xi1>
    %reduce_min3A_140 = arith.constant -2147483648 : i32
    %reduce_min3A_141 = vector.broadcast %reduce_min3A_140 : i32 to vector<16xi32>
    %reduce_min3A_142 = arith.xori %select_n3A, %reduce_min3A_141 : vector<16xi32>
    %reduce_min3A_143 = tpu.scan <min>, %reduce_min3A_142 masked %reduce_min3A_139 : vector<16xi32>, vector<16xi1> -> vector<16xi32>
    %reduce_min3A_144 = arith.xori %reduce_min3A_143, %reduce_min3A_141 : vector<16xi32>
    %reduce_min3A_145 = vector.extract %reduce_min3A_144[15] : i32 from vector<16xi32>
    %broadcast_in_dim3A_146 = vector.broadcast %reduce_min3A_145 : i32 to vector<16xi32>
    %add3A_147 = arith.constant 0 : i32
    %add3A_148 = vector.broadcast %add3A_147 : i32 to vector<16xi32>
    %add3A_149 = arith.addi %add3A_148, %iota3A : vector<16xi32>
    %gather3A_150 = tpu.vector_load_idx %arg7[%broadcast_in_dim3A_146, %add3A_149] : memref<16x128xi32, #tpu.memory_space<vmem>>[vector<16xi32>, vector<16xi32>], vector<16xi32>,
    %swap3A = arith.constant 0 : index
    %swap3A_151 = tpu.vector_load %arg12[%swap3A] {strides = array<i32>} : memref<128xi32, #tpu.memory_space<vmem>>, vector<16xi32>,
    tpu.vector_store %arg12[%swap3A], %gather3A_150 {strides = array<i32>} : memref<128xi32, #tpu.memory_space<vmem>>, vector<16xi32>,
    %ne3A_152 = arith.constant 0 : i32
    %ne3A_153 = vector.broadcast %ne3A_152 : i32 to vector<16xi32>
    %ne3A_154 = arith.cmpi ne, %gather3A_150, %ne3A_153 : vector<16xi32>
    %convert_element_type3A = arith.extui %ne3A_154 : vector<16xi1> to vector<16xi32>
    %reduce_sum3A_155 = arith.constant true
    %reduce_sum3A_156 = vector.broadcast %reduce_sum3A_155 : i1 to vector<16xi1>
    %reduce_sum3A_157 = tpu.scan <sum>, %convert_element_type3A masked %reduce_sum3A_156 : vector<16xi32>, vector<16xi1> -> vector<16xi32>
    %reduce_sum3A_158 = vector.extract %reduce_sum3A_157[15] : i32 from vector<16xi32>
    %add3A_159 = arith.constant 0 : i32
    %add3A_160 = arith.addi %add3A_159, %reduce_sum3A_158 : i32
    %add3A_161 = arith.constant 16 : i32
    %add3A_162 = vector.broadcast %add3A_161 : i32 to vector<16xi32>
    %add3A_163 = arith.addi %add3A_162, %iota3A : vector<16xi32>
    %gather3A_164 = tpu.vector_load_idx %arg7[%broadcast_in_dim3A_146, %add3A_163] : memref<16x128xi32, #tpu.memory_space<vmem>>[vector<16xi32>, vector<16xi32>], vector<16xi32>,
    %swap3A_165 = arith.constant 16 : index
    %swap3A_166 = tpu.vector_load %arg12[%swap3A_165] {strides = array<i32>} : memref<128xi32, #tpu.memory_space<vmem>>, vector<16xi32>,
    tpu.vector_store %arg12[%swap3A_165], %gather3A_164 {strides = array<i32>} : memref<128xi32, #tpu.memory_space<vmem>>, vector<16xi32>,
    %ne3A_167 = arith.constant 0 : i32
    %ne3A_168 = vector.broadcast %ne3A_167 : i32 to vector<16xi32>
    %ne3A_169 = arith.cmpi ne, %gather3A_164, %ne3A_168 : vector<16xi32>
    %convert_element_type3A_170 = arith.extui %ne3A_169 : vector<16xi1> to vector<16xi32>
    %reduce_sum3A_171 = arith.constant true
    %reduce_sum3A_172 = vector.broadcast %reduce_sum3A_171 : i1 to vector<16xi1>
    %reduce_sum3A_173 = tpu.scan <sum>, %convert_element_type3A_170 masked %reduce_sum3A_172 : vector<16xi32>, vector<16xi1> -> vector<16xi32>
    %reduce_sum3A_174 = vector.extract %reduce_sum3A_173[15] : i32 from vector<16xi32>
    %add3A_175 = arith.addi %add3A_160, %reduce_sum3A_174 : i32
    %add3A_176 = arith.constant 32 : i32
    %add3A_177 = vector.broadcast %add3A_176 : i32 to vector<16xi32>
    %add3A_178 = arith.addi %add3A_177, %iota3A : vector<16xi32>
    %gather3A_179 = tpu.vector_load_idx %arg7[%broadcast_in_dim3A_146, %add3A_178] : memref<16x128xi32, #tpu.memory_space<vmem>>[vector<16xi32>, vector<16xi32>], vector<16xi32>,
    %swap3A_180 = arith.constant 32 : index
    %swap3A_181 = tpu.vector_load %arg12[%swap3A_180] {strides = array<i32>} : memref<128xi32, #tpu.memory_space<vmem>>, vector<16xi32>,
    tpu.vector_store %arg12[%swap3A_180], %gather3A_179 {strides = array<i32>} : memref<128xi32, #tpu.memory_space<vmem>>, vector<16xi32>,
    %ne3A_182 = arith.constant 0 : i32
    %ne3A_183 = vector.broadcast %ne3A_182 : i32 to vector<16xi32>
    %ne3A_184 = arith.cmpi ne, %gather3A_179, %ne3A_183 : vector<16xi32>
    %convert_element_type3A_185 = arith.extui %ne3A_184 : vector<16xi1> to vector<16xi32>
    %reduce_sum3A_186 = arith.constant true
    %reduce_sum3A_187 = vector.broadcast %reduce_sum3A_186 : i1 to vector<16xi1>
    %reduce_sum3A_188 = tpu.scan <sum>, %convert_element_type3A_185 masked %reduce_sum3A_187 : vector<16xi32>, vector<16xi1> -> vector<16xi32>
    %reduce_sum3A_189 = vector.extract %reduce_sum3A_188[15] : i32 from vector<16xi32>
    %add3A_190 = arith.addi %add3A_175, %reduce_sum3A_189 : i32
    %add3A_191 = arith.constant 48 : i32
    %add3A_192 = vector.broadcast %add3A_191 : i32 to vector<16xi32>
    %add3A_193 = arith.addi %add3A_192, %iota3A : vector<16xi32>
    %gather3A_194 = tpu.vector_load_idx %arg7[%broadcast_in_dim3A_146, %add3A_193] : memref<16x128xi32, #tpu.memory_space<vmem>>[vector<16xi32>, vector<16xi32>], vector<16xi32>,
    %swap3A_195 = arith.constant 48 : index
    %swap3A_196 = tpu.vector_load %arg12[%swap3A_195] {strides = array<i32>} : memref<128xi32, #tpu.memory_space<vmem>>, vector<16xi32>,
    tpu.vector_store %arg12[%swap3A_195], %gather3A_194 {strides = array<i32>} : memref<128xi32, #tpu.memory_space<vmem>>, vector<16xi32>,
    %ne3A_197 = arith.constant 0 : i32
    %ne3A_198 = vector.broadcast %ne3A_197 : i32 to vector<16xi32>
    %ne3A_199 = arith.cmpi ne, %gather3A_194, %ne3A_198 : vector<16xi32>
    %convert_element_type3A_200 = arith.extui %ne3A_199 : vector<16xi1> to vector<16xi32>
    %reduce_sum3A_201 = arith.constant true
    %reduce_sum3A_202 = vector.broadcast %reduce_sum3A_201 : i1 to vector<16xi1>
    %reduce_sum3A_203 = tpu.scan <sum>, %convert_element_type3A_200 masked %reduce_sum3A_202 : vector<16xi32>, vector<16xi1> -> vector<16xi32>
    %reduce_sum3A_204 = vector.extract %reduce_sum3A_203[15] : i32 from vector<16xi32>
    %add3A_205 = arith.addi %add3A_190, %reduce_sum3A_204 : i32
    %add3A_206 = arith.constant 64 : i32
    %add3A_207 = vector.broadcast %add3A_206 : i32 to vector<16xi32>
    %add3A_208 = arith.addi %add3A_207, %iota3A : vector<16xi32>
    %gather3A_209 = tpu.vector_load_idx %arg7[%broadcast_in_dim3A_146, %add3A_208] : memref<16x128xi32, #tpu.memory_space<vmem>>[vector<16xi32>, vector<16xi32>], vector<16xi32>,
    %swap3A_210 = arith.constant 64 : index
    %swap3A_211 = tpu.vector_load %arg12[%swap3A_210] {strides = array<i32>} : memref<128xi32, #tpu.memory_space<vmem>>, vector<16xi32>,
    tpu.vector_store %arg12[%swap3A_210], %gather3A_209 {strides = array<i32>} : memref<128xi32, #tpu.memory_space<vmem>>, vector<16xi32>,
    %ne3A_212 = arith.constant 0 : i32
    %ne3A_213 = vector.broadcast %ne3A_212 : i32 to vector<16xi32>
    %ne3A_214 = arith.cmpi ne, %gather3A_209, %ne3A_213 : vector<16xi32>
    %convert_element_type3A_215 = arith.extui %ne3A_214 : vector<16xi1> to vector<16xi32>
    %reduce_sum3A_216 = arith.constant true
    %reduce_sum3A_217 = vector.broadcast %reduce_sum3A_216 : i1 to vector<16xi1>
    %reduce_sum3A_218 = tpu.scan <sum>, %convert_element_type3A_215 masked %reduce_sum3A_217 : vector<16xi32>, vector<16xi1> -> vector<16xi32>
    %reduce_sum3A_219 = vector.extract %reduce_sum3A_218[15] : i32 from vector<16xi32>
    %add3A_220 = arith.addi %add3A_205, %reduce_sum3A_219 : i32
    %add3A_221 = arith.constant 80 : i32
    %add3A_222 = vector.broadcast %add3A_221 : i32 to vector<16xi32>
    %add3A_223 = arith.addi %add3A_222, %iota3A : vector<16xi32>
    %gather3A_224 = tpu.vector_load_idx %arg7[%broadcast_in_dim3A_146, %add3A_223] : memref<16x128xi32, #tpu.memory_space<vmem>>[vector<16xi32>, vector<16xi32>], vector<16xi32>,
    %swap3A_225 = arith.constant 80 : index
    %swap3A_226 = tpu.vector_load %arg12[%swap3A_225] {strides = array<i32>} : memref<128xi32, #tpu.memory_space<vmem>>, vector<16xi32>,
    tpu.vector_store %arg12[%swap3A_225], %gather3A_224 {strides = array<i32>} : memref<128xi32, #tpu.memory_space<vmem>>, vector<16xi32>,
    %ne3A_227 = arith.constant 0 : i32
    %ne3A_228 = vector.broadcast %ne3A_227 : i32 to vector<16xi32>
    %ne3A_229 = arith.cmpi ne, %gather3A_224, %ne3A_228 : vector<16xi32>
    %convert_element_type3A_230 = arith.extui %ne3A_229 : vector<16xi1> to vector<16xi32>
    %reduce_sum3A_231 = arith.constant true
    %reduce_sum3A_232 = vector.broadcast %reduce_sum3A_231 : i1 to vector<16xi1>
    %reduce_sum3A_233 = tpu.scan <sum>, %convert_element_type3A_230 masked %reduce_sum3A_232 : vector<16xi32>, vector<16xi1> -> vector<16xi32>
    %reduce_sum3A_234 = vector.extract %reduce_sum3A_233[15] : i32 from vector<16xi32>
    %add3A_235 = arith.addi %add3A_220, %reduce_sum3A_234 : i32
    %add3A_236 = arith.constant 96 : i32
    %add3A_237 = vector.broadcast %add3A_236 : i32 to vector<16xi32>
    %add3A_238 = arith.addi %add3A_237, %iota3A : vector<16xi32>
    %gather3A_239 = tpu.vector_load_idx %arg7[%broadcast_in_dim3A_146, %add3A_238] : memref<16x128xi32, #tpu.memory_space<vmem>>[vector<16xi32>, vector<16xi32>], vector<16xi32>,
    %swap3A_240 = arith.constant 96 : index
    %swap3A_241 = tpu.vector_load %arg12[%swap3A_240] {strides = array<i32>} : memref<128xi32, #tpu.memory_space<vmem>>, vector<16xi32>,
    tpu.vector_store %arg12[%swap3A_240], %gather3A_239 {strides = array<i32>} : memref<128xi32, #tpu.memory_space<vmem>>, vector<16xi32>,
    %ne3A_242 = arith.constant 0 : i32
    %ne3A_243 = vector.broadcast %ne3A_242 : i32 to vector<16xi32>
    %ne3A_244 = arith.cmpi ne, %gather3A_239, %ne3A_243 : vector<16xi32>
    %convert_element_type3A_245 = arith.extui %ne3A_244 : vector<16xi1> to vector<16xi32>
    %reduce_sum3A_246 = arith.constant true
    %reduce_sum3A_247 = vector.broadcast %reduce_sum3A_246 : i1 to vector<16xi1>
    %reduce_sum3A_248 = tpu.scan <sum>, %convert_element_type3A_245 masked %reduce_sum3A_247 : vector<16xi32>, vector<16xi1> -> vector<16xi32>
    %reduce_sum3A_249 = vector.extract %reduce_sum3A_248[15] : i32 from vector<16xi32>
    %add3A_250 = arith.addi %add3A_235, %reduce_sum3A_249 : i32
    %add3A_251 = arith.constant 112 : i32
    %add3A_252 = vector.broadcast %add3A_251 : i32 to vector<16xi32>
    %add3A_253 = arith.addi %add3A_252, %iota3A : vector<16xi32>
    %gather3A_254 = tpu.vector_load_idx %arg7[%broadcast_in_dim3A_146, %add3A_253] : memref<16x128xi32, #tpu.memory_space<vmem>>[vector<16xi32>, vector<16xi32>], vector<16xi32>,
    %swap3A_255 = arith.constant 112 : index
    %swap3A_256 = tpu.vector_load %arg12[%swap3A_255] {strides = array<i32>} : memref<128xi32, #tpu.memory_space<vmem>>, vector<16xi32>,
    tpu.vector_store %arg12[%swap3A_255], %gather3A_254 {strides = array<i32>} : memref<128xi32, #tpu.memory_space<vmem>>, vector<16xi32>,
    %ne3A_257 = arith.constant 0 : i32
    %ne3A_258 = vector.broadcast %ne3A_257 : i32 to vector<16xi32>
    %ne3A_259 = arith.cmpi ne, %gather3A_254, %ne3A_258 : vector<16xi32>
    %convert_element_type3A_260 = arith.extui %ne3A_259 : vector<16xi1> to vector<16xi32>
    %reduce_sum3A_261 = arith.constant true
    %reduce_sum3A_262 = vector.broadcast %reduce_sum3A_261 : i1 to vector<16xi1>
    %reduce_sum3A_263 = tpu.scan <sum>, %convert_element_type3A_260 masked %reduce_sum3A_262 : vector<16xi32>, vector<16xi1> -> vector<16xi32>
    %reduce_sum3A_264 = vector.extract %reduce_sum3A_263[15] : i32 from vector<16xi32>
    %add3A_265 = arith.addi %add3A_250, %reduce_sum3A_264 : i32
    %swap3A_266 = arith.constant 0 : index
    %swap3A_267 = tpu.vector_load %arg14[%swap3A_266] {strides = array<i32>} : memref<16xf32, #tpu.memory_space<vmem>>, vector<16xf32>,
    tpu.vector_store %arg14[%swap3A_266], %sort3A_130 {strides = array<i32>} : memref<16xf32, #tpu.memory_space<vmem>>, vector<16xf32>,
    %dma_start3A_268 = arith.constant 0 : i32
    %dma_start3A_269 = tpu.memref_slice %arg4[%add3A, %dma_start3A_268] : memref<32x128xi32, #tpu.memory_space<hbm>> -> memref<1x128xi32, #tpu.memory_space<hbm>>
    %dma_start3A_270 = tpu.memref_squeeze %dma_start3A_269 : memref<1x128xi32, #tpu.memory_space<hbm>> -> memref<128xi32, #tpu.memory_space<hbm>>
    %dma_start3A_271 = arith.constant 0 : i32
    %dma_start3A_272 = tpu.memref_slice %arg4[%add3A, %dma_start3A_271] : memref<32x128xi32, #tpu.memory_space<hbm>> -> memref<1x128xi32, #tpu.memory_space<hbm>>
    %dma_start3A_273 = tpu.memref_squeeze %dma_start3A_272 : memref<1x128xi32, #tpu.memory_space<hbm>> -> memref<128xi32, #tpu.memory_space<hbm>>
    tpu.enqueue_dma source(%arg12 : memref<128xi32, #tpu.memory_space<vmem>>) target(%dma_start3A_273 : memref<128xi32, #tpu.memory_space<hbm>>) target_semaphore(%arg17 : memref<!tpu.dma_semaphore, #tpu.memory_space<semaphore_mem>>)
    %dma_start3A_274 = arith.constant 0 : i32
    %dma_start3A_275 = tpu.memref_slice %arg6[%add3A, %dma_start3A_274] : memref<32x16xf32, #tpu.memory_space<hbm>> -> memref<1x16xf32, #tpu.memory_space<hbm>>
    %dma_start3A_276 = tpu.memref_squeeze %dma_start3A_275 : memref<1x16xf32, #tpu.memory_space<hbm>> -> memref<16xf32, #tpu.memory_space<hbm>>
    %dma_start3A_277 = arith.constant 0 : i32
    %dma_start3A_278 = tpu.memref_slice %arg6[%add3A, %dma_start3A_277] : memref<32x16xf32, #tpu.memory_space<hbm>> -> memref<1x16xf32, #tpu.memory_space<hbm>>
    %dma_start3A_279 = tpu.memref_squeeze %dma_start3A_278 : memref<1x16xf32, #tpu.memory_space<hbm>> -> memref<16xf32, #tpu.memory_space<hbm>>
    tpu.enqueue_dma source(%arg14 : memref<16xf32, #tpu.memory_space<vmem>>) target(%dma_start3A_279 : memref<16xf32, #tpu.memory_space<hbm>>) target_semaphore(%arg17 : memref<!tpu.dma_semaphore, #tpu.memory_space<semaphore_mem>>)
    %broadcast_in_dim3A_280 = vector.broadcast %add3A_265 : i32 to vector<16xi32>
    %swap3A_281 = arith.constant 0 : index
    %swap3A_282 = tpu.vector_load %arg13[%swap3A_281] {strides = array<i32>} : memref<16xi32, #tpu.memory_space<vmem>>, vector<16xi32>,
    tpu.vector_store %arg13[%swap3A_281], %broadcast_in_dim3A_280 {strides = array<i32>} : memref<16xi32, #tpu.memory_space<vmem>>, vector<16xi32>,
    %mul3A_283 = arith.constant 16 : i32
    %mul3A_284 = arith.muli %arg1, %mul3A_283 : i32
    "tpu.region"() ({
      %run_scoped3A = tpu.sem_alloc : memref<!tpu.dma_semaphore, #tpu.memory_space<semaphore_mem>>
      %dma_start3A_301 = tpu.memref_slice %arg15[%mul3A_284] : memref<256xi32, #tpu.memory_space<vmem_shared>> -> memref<16xi32, #tpu.memory_space<vmem_shared>>
      %dma_start3A_302 = tpu.memref_slice %arg15[%mul3A_284] : memref<256xi32, #tpu.memory_space<vmem_shared>> -> memref<16xi32, #tpu.memory_space<vmem_shared>>
      tpu.enqueue_dma source(%arg13 : memref<16xi32, #tpu.memory_space<vmem>>) target(%dma_start3A_302 : memref<16xi32, #tpu.memory_space<vmem_shared>>) target_semaphore(%run_scoped3A : memref<!tpu.dma_semaphore, #tpu.memory_space<semaphore_mem>>)
      %dma_wait3A_303 = tpu.memref_slice %arg15[%mul3A_284] : memref<256xi32, #tpu.memory_space<vmem_shared>> -> memref<16xi32, #tpu.memory_space<vmem_shared>>
      %dma_wait3A_304 = tpu.memref_slice %arg15[%mul3A_284] : memref<256xi32, #tpu.memory_space<vmem_shared>> -> memref<16xi32, #tpu.memory_space<vmem_shared>>
      tpu.wait_dma2 semaphore(%run_scoped3A : memref<!tpu.dma_semaphore, #tpu.memory_space<semaphore_mem>>) src(%arg13 : memref<16xi32, #tpu.memory_space<vmem>>) dst(%dma_wait3A_304 : memref<16xi32, #tpu.memory_space<vmem_shared>>)
      tpu.yield
    }) : () -> ()
    %barrier3A = arith.constant 0 : index
    tpu.barrier barrier_id(%barrier3A)
    %eq3A_285 = arith.constant 0 : i32
    %eq3A_286 = arith.cmpi eq, %arg1, %eq3A_285 : i32
    %convert_element_type3A_287 = arith.extui %eq3A_286 : i1 to i32
    %cond3A = arith.constant 0 : i32
    %cond3A_288 = arith.cmpi ne, %convert_element_type3A_287, %cond3A : i32
    scf.if %cond3A_288 {
      "tpu.region"() ({
        %run_scoped3A = tpu.sem_alloc : memref<!tpu.dma_semaphore, #tpu.memory_space<semaphore_mem>>
        tpu.enqueue_dma source(%arg15 : memref<256xi32, #tpu.memory_space<vmem_shared>>) target(%arg16 : memref<256xi32, #tpu.memory_space<vmem>>) target_semaphore(%run_scoped3A : memref<!tpu.dma_semaphore, #tpu.memory_space<semaphore_mem>>)
        tpu.wait_dma2 semaphore(%run_scoped3A : memref<!tpu.dma_semaphore, #tpu.memory_space<semaphore_mem>>) src(%arg15 : memref<256xi32, #tpu.memory_space<vmem_shared>>) dst(%arg16 : memref<256xi32, #tpu.memory_space<vmem>>)
        tpu.yield
      }) : () -> ()
      %mul3A_301 = arith.constant 16 : i32
      %mul3A_302 = vector.broadcast %mul3A_301 : i32 to vector<16xi32>
      %mul3A_303 = arith.muli %iota3A, %mul3A_302 : vector<16xi32>
      %gather3A_304 = tpu.vector_load_idx %arg16[%mul3A_303] : memref<256xi32, #tpu.memory_space<vmem>>[vector<16xi32>], vector<16xi32>,
      %swap3A_305 = arith.constant 0 : index
      %swap3A_306 = tpu.vector_load %arg13[%swap3A_305] {strides = array<i32>} : memref<16xi32, #tpu.memory_space<vmem>>, vector<16xi32>,
      tpu.vector_store %arg13[%swap3A_305], %gather3A_304 {strides = array<i32>} : memref<16xi32, #tpu.memory_space<vmem>>, vector<16xi32>,
      %mul3A_307 = arith.constant 16 : i32
      %mul3A_308 = arith.muli %arg0, %mul3A_307 : i32
      "tpu.region"() ({
        %run_scoped3A = tpu.sem_alloc : memref<!tpu.dma_semaphore, #tpu.memory_space<semaphore_mem>>
        %dma_start3A_309 = tpu.memref_slice %arg5[%mul3A_308] : memref<32xi32, #tpu.memory_space<hbm>> -> memref<16xi32, #tpu.memory_space<hbm>>
        %dma_start3A_310 = tpu.memref_slice %arg5[%mul3A_308] : memref<32xi32, #tpu.memory_space<hbm>> -> memref<16xi32, #tpu.memory_space<hbm>>
        tpu.enqueue_dma source(%arg13 : memref<16xi32, #tpu.memory_space<vmem>>) target(%dma_start3A_310 : memref<16xi32, #tpu.memory_space<hbm>>) target_semaphore(%run_scoped3A : memref<!tpu.dma_semaphore, #tpu.memory_space<semaphore_mem>>)
        %dma_wait3A_311 = tpu.memref_slice %arg5[%mul3A_308] : memref<32xi32, #tpu.memory_space<hbm>> -> memref<16xi32, #tpu.memory_space<hbm>>
        %dma_wait3A_312 = tpu.memref_slice %arg5[%mul3A_308] : memref<32xi32, #tpu.memory_space<hbm>> -> memref<16xi32, #tpu.memory_space<hbm>>
        tpu.wait_dma2 semaphore(%run_scoped3A : memref<!tpu.dma_semaphore, #tpu.memory_space<semaphore_mem>>) src(%arg13 : memref<16xi32, #tpu.memory_space<vmem>>) dst(%dma_wait3A_312 : memref<16xi32, #tpu.memory_space<hbm>>)
        tpu.yield
      }) : () -> ()
    } else {
    }
    %dma_wait3A_289 = arith.constant 0 : i32
    %dma_wait3A_290 = tpu.memref_slice %arg4[%add3A, %dma_wait3A_289] : memref<32x128xi32, #tpu.memory_space<hbm>> -> memref<1x128xi32, #tpu.memory_space<hbm>>
    %dma_wait3A_291 = tpu.memref_squeeze %dma_wait3A_290 : memref<1x128xi32, #tpu.memory_space<hbm>> -> memref<128xi32, #tpu.memory_space<hbm>>
    %dma_wait3A_292 = arith.constant 0 : i32
    %dma_wait3A_293 = tpu.memref_slice %arg4[%add3A, %dma_wait3A_292] : memref<32x128xi32, #tpu.memory_space<hbm>> -> memref<1x128xi32, #tpu.memory_space<hbm>>
    %dma_wait3A_294 = tpu.memref_squeeze %dma_wait3A_293 : memref<1x128xi32, #tpu.memory_space<hbm>> -> memref<128xi32, #tpu.memory_space<hbm>>
    tpu.wait_dma2 semaphore(%arg17 : memref<!tpu.dma_semaphore, #tpu.memory_space<semaphore_mem>>) src(%arg12 : memref<128xi32, #tpu.memory_space<vmem>>) dst(%dma_wait3A_294 : memref<128xi32, #tpu.memory_space<hbm>>)
    %dma_wait3A_295 = arith.constant 0 : i32
    %dma_wait3A_296 = tpu.memref_slice %arg6[%add3A, %dma_wait3A_295] : memref<32x16xf32, #tpu.memory_space<hbm>> -> memref<1x16xf32, #tpu.memory_space<hbm>>
    %dma_wait3A_297 = tpu.memref_squeeze %dma_wait3A_296 : memref<1x16xf32, #tpu.memory_space<hbm>> -> memref<16xf32, #tpu.memory_space<hbm>>
    %dma_wait3A_298 = arith.constant 0 : i32
    %dma_wait3A_299 = tpu.memref_slice %arg6[%add3A, %dma_wait3A_298] : memref<32x16xf32, #tpu.memory_space<hbm>> -> memref<1x16xf32, #tpu.memory_space<hbm>>
    %dma_wait3A_300 = tpu.memref_squeeze %dma_wait3A_299 : memref<1x16xf32, #tpu.memory_space<hbm>> -> memref<16xf32, #tpu.memory_space<hbm>>
    tpu.wait_dma2 semaphore(%arg17 : memref<!tpu.dma_semaphore, #tpu.memory_space<semaphore_mem>>) src(%arg14 : memref<16xf32, #tpu.memory_space<vmem>>) dst(%dma_wait3A_300 : memref<16xf32, #tpu.memory_space<hbm>>)
    return
  }
}

</mosaic_0001>

<sc_bundles>
// kernel: kernel.3.cloned.1.call-start
scs
__scs_entry_jumppad:
0x0: {  	(pc) =	sbr.rel $0x88, $3  }
0x1: {  	(tag) =	ssettag $0x0;
	lr =	simm.s32 $0x1  }
0x2: {  	[smem:$0x3F9F] =	sst lr;
	_ =	strace $0xD0000000  }
0x3: {  	_ = 	snop  }
0x4: {  	_ = 	snop  }
0x5: {  	_ = 	snop  }
0x6: {  	_ = 	snop  }
0x7: {  	_ = 	snop  }
__scs_overlays_trampoline_lowered:
0x8: {  	[smem:$0x3FAE] =	sst s0  }
0x9: {  	[smem:$0x3FAF] =	sst s1  }
0xa: {  	[smem:$0x3FB0] =	sst s2  }
0xb: {  	[smem:$0x3FB1] =	sst s3  }
0xc: {  	[smem:$0x3FB2] =	sst s4  }
0xd: {  	[smem:$0x3FB3] =	sst s5  }
0xe: {  	[smem:$0x3FB4] =	sst s6  }
0xf: {  	[smem:$0x3FB5] =	sst s7  }
0x10: {  	[smem:$0x3FB6] =	sst s8  }
0x11: {  	[smem:$0x3FB7] =	sst s9;
	s0 =	simm.s32 @!p0 $0x0  }
0x12: {  	s1 =	sld [smem:$0x3F9D];
	s0 =	simm.s32 @p0 $0x1  }
0x13: {  	[smem:$0x3FB8] =	sst s0;
	s0 =	simm.s32 @!p1 $0x0  }
0x14: {  	s2 =	sld [smem:$0x3F9C];
	s0 =	simm.s32 @p1 $0x1  }
0x15: {  	[smem:$0x3FB9] =	sst s0;
	s0 =	simm.s32 @!p2 $0x0  }
0x16: {  	s3 =	sld [smem:$0x3FDB];
	s0 =	simm.s32 @p2 $0x1  }
0x17: {  	s4 =	simm.s32 $0x1BF5;
	[smem:$0x3FBB] =	sst s0  }
0x18: {  	s0 =	sld [smem:$0x3F9E];
	_ =	swait.ge [sflag:s4], $0x0  }
0x19: {  	s7 =	sld [smem:$0x3F9F]  }
0x1a: {  	s8 =	sadd.s32 $0xFFFFE003, lr  }
0x1b: {  	s9 =	sadd.s32 $0xFFFFFEF7, lr;
	s5 =	simm.s32 $0xFFFFFFFF;
	p2 =	slt.u32 s8, $0xFFFFF086  }
0x1c: {  	p1 =	slt.u32 s9, $0xF7A;
	s5 =	simm.s32 @!p2 $0x0  }
0x1d: {  	s5 =	simm.s32 @p1 $0x1;
	p0 =	seq.s32 s7, s2  }
0x1e: {  	s7 =	smul.u32 @!p0 $0xF7A, s2;
	p2 =	seq.s32 @!p0 s5, $0x0  }
0x1f: {  	s9 =	smul.u32 $0xF7A, s1;
	s8 =	simm.s32 @!p0 $0x1BF5;
	p2 =	por !p2, p0  }
0x20: {  	[sflag:s8] =	ssyncset.s32 @!p0 $0xFFFFF086;
	s6 =	sadd.s32 @!p0 s3, s7;
	s7 =	simm.s32 @!p0 $0x108  }
0x21: {  	s3 =	sadd.s32 s3, s9;
	s6 =	sadd.s32 @!p0 $0x88, s6;
	s7 =	simm.s32 @p2 $0x1082  }
0x22: {  	[simem:s7], [sflag:s8] =	dma.local @!p0 [hbm:s6], $0xF7A  }
0x23: {  	s9 =	sor.u32 $0xD0000000, s2;
	s6 =	simm.s32 $0x108;
	_ =	swait.ge @!p0 [sflag:s8], $0x0  }
0x24: {  	s3 =	sadd.s32 $0x88, s3;
	s6 =	simm.s32 @!p1 $0x1082;
	[sflag:s4] =	ssyncset.s32 $0xFFFFF086  }
0x25: {  	[simem:s6], [sflag:s4] =	dma.local [hbm:s3], $0xF7A  }
0x26: {  	[smem:$0x3F9F] =	sst s1;
	(tag) =	ssettag s2;
	_ =	strace s9  }
0x27: {  	s1 =	sld [smem:$0x3FAF]  }
0x28: {  	s2 =	sld [smem:$0x3FB0]  }
0x29: {  	s4 =	sld [smem:$0x3FB2]  }
0x2a: {  	p0 =	seq.s32 s5, $0x0;
	s5 =	sld [smem:$0x3FB3]  }
0x2b: {  	s6 =	sld [smem:$0x3FB4]  }
0x2c: {  	s7 =	sld [smem:$0x3FB5]  }
0x2d: {  	s3 =	simm.s32 $0x108;
	s8 =	sld [smem:$0x3FB6]  }
0x2e: {  	s3 =	simm.s32 @!p0 $0x1082;
	s9 =	sld [smem:$0x3FB7]  }
0x2f: {  	lr =	sadd.s32 s0, s3;
	s0 =	sld [smem:$0x3FAE]  }
0x30: {  	s3 =	sld [smem:$0x3FB1]  }
0x31: {  	[smem:$0x3FBA] =	sst s10  }
0x32: {  	s10 =	sld [smem:$0x3FB8];
	_ =	sdelay $0x3  }
0x33: {  	p0 =	seq.s32 s10, $0x1;
	s10 =	sld [smem:$0x3FBA];
	_ =	sdelay $0x3  }
0x34: {  	[smem:$0x3FBA] =	sst s10  }
0x35: {  	s10 =	sld [smem:$0x3FB9];
	_ =	sdelay $0x3  }
0x36: {  	p1 =	seq.s32 s10, $0x1;
	s10 =	sld [smem:$0x3FBA];
	_ =	sdelay $0x3  }
0x37: {  	[smem:$0x3FBA] =	sst s10  }
0x38: {  	s10 =	sld [smem:$0x3FBB]  }
0x39: {  	_ = 	snop;
	(pc) =	sbr.ind lr, $3  }
0x3a: {  	_ = 	snop  }
0x3b: {  	_ = 	snop  }
0x3c: {  	p2 =	seq.s32 s10, $0x1;
	s10 =	sld [smem:$0x3FBA]  }
0x3d: {  	_ =	shalt  }
0x3e: {  	_ =	shalt  }
0x3f: {  	_ =	shalt  }
0x40: {  	_ =	shalt  }
0x41: {  	_ =	shalt  }
0x42: {  	_ =	shalt  }
0x43: {  	_ =	shalt  }
0x44: {  	_ =	shalt  }
0x45: {  	_ =	shalt  }
0x46: {  	_ =	shalt  }
0x47: {  	_ =	shalt  }
0x48: {  	_ =	shalt  }
0x49: {  	_ =	shalt  }
0x4a: {  	_ =	shalt  }
0x4b: {  	_ =	shalt  }
0x4c: {  	_ =	shalt  }
0x4d: {  	_ =	shalt  }
0x4e: {  	_ =	shalt  }
0x4f: {  	_ =	shalt  }
0x50: {  	_ =	shalt  }
0x51: {  	_ =	shalt  }
0x52: {  	_ =	shalt  }
0x53: {  	_ =	shalt  }
0x54: {  	_ =	shalt  }
0x55: {  	_ =	shalt  }
0x56: {  	_ =	shalt  }
0x57: {  	_ =	shalt  }
0x58: {  	_ =	shalt  }
0x59: {  	_ =	shalt  }
0x5a: {  	_ =	shalt  }
0x5b: {  	_ =	shalt  }
0x5c: {  	_ =	shalt  }
0x5d: {  	_ =	shalt  }
0x5e: {  	_ =	shalt  }
0x5f: {  	_ =	shalt  }
0x60: {  	_ =	shalt  }
0x61: {  	_ =	shalt  }
0x62: {  	_ =	shalt  }
0x63: {  	_ =	shalt  }
0x64: {  	_ =	shalt  }
0x65: {  	_ =	shalt  }
0x66: {  	_ =	shalt  }
0x67: {  	_ =	shalt  }
0x68: {  	_ =	shalt  }
0x69: {  	_ =	shalt  }
0x6a: {  	_ =	shalt  }
0x6b: {  	_ =	shalt  }
0x6c: {  	_ =	shalt  }
0x6d: {  	_ =	shalt  }
0x6e: {  	_ =	shalt  }
0x6f: {  	_ =	shalt  }
0x70: {  	_ =	shalt  }
0x71: {  	_ =	shalt  }
0x72: {  	_ =	shalt  }
0x73: {  	_ =	shalt  }
0x74: {  	_ =	shalt  }
0x75: {  	_ =	shalt  }
0x76: {  	_ =	shalt  }
0x77: {  	_ =	shalt  }
0x78: {  	_ =	shalt  }
0x79: {  	_ =	shalt  }
0x7a: {  	_ =	shalt  }
0x7b: {  	_ =	shalt  }
0x7c: {  	_ =	shalt  }
0x7d: {  	_ =	shalt  }
0x7e: {  	_ =	shalt  }
0x7f: {  	_ =	shalt  }
0x80: {  	_ =	shalt  }
0x81: {  	_ =	shalt  }
0x82: {  	_ =	shalt  }
0x83: {  	_ =	shalt  }
0x84: {  	_ =	shalt  }
0x85: {  	_ =	shalt  }
0x86: {  	_ =	shalt  }
0x87: {  	_ =	shalt  }
.Lfunc_end0:
.L_simem_size_0:
called_computation_lowered:
.L_overlay_start_0:
0x88: {  	s2 =	sld [smem:$0x3FD9]  }
0x89: {  	s3 =	sld [smem:$0x3FFE];
	_ =	sdelay $0x1  }
0x8a: {  	s1 =	srdreg.scid  }
0x8b: {  	s0 =	sand.u32 $0x1, s1  }
0x8c: {  	s14 =	sshll.u32 s0, $0xA;
	s2 =	sadd.s32 s3, s2  }
0x8d: {  	s2 =	sadd.s32 s2, s14  }
0x8e: {  	[smem:$0x3FC6] =	sst s2  }
0x8f: {  	_ = 	snop  }
0x90: {  	s2 =	sld [smem:$0x3FD0];
	_ =	sdelay $0x1  }
0x91: {  	s15 =	sld [smem:$0x3FC9]  }
0x92: {  	s5 =	simm.s32 $0xA;
	s6 =	simm.s32 $0x10;
	s4 =	sld [smem:$0x3FC8]  }
0x93: {  	[smem:s6], [sflag:s5] =	dma.local [hbm:s2], $0x1  }
0x94: {  	_ =	swait.eq [sflag:s5], $0x1  }
0x95: {  	[sflag:s5] =	ssyncset.done $0x0  }
0x96: {  	s16 =	sld [smem:$0x10];
	[sflag:s5] =	ssyncadd.s32 $0xFFFFFFFF  }
0x97: {  	s17 =	sld [smem:$0x11];
	(tm) =	ssettm $0x1  }
0x98: {  	s18 =	sld [smem:$0x3FFB];
	_ =	sdelay $0x3  }
0x99: {  	_ =	strace s18  }
0x9a: {  	s6 =	sld [smem:$0x3FFC];
	_ =	sdelay $0x3  }
0x9b: {  	_ =	strace s6  }
0x9c: {  	s6 =	sld [smem:$0x3FFD];
	_ =	sdelay $0x3  }
0x9d: {  	_ =	strace s6  }
0x9e: {  	_ =	strace $0x8FFFFFFF  }
0x9f: {  	s19 =	sld [smem:$0x3FDB];
	_ =	sdelay $0x1  }
0xa0: {  	s7 =	simm.s32 $_scs_section_size  }
0xa1: {  	s8 =	simm.s32 $_size__tile_overlayer_lowered;
	s9 =	simm.s32 $_tile_overlayer_lowered  }
0xa2: {  	s22 =	simm.s32 $0x1BFF;
	s21 =	sshll.u32 s9, $0x1;
	s6 =	sadd.s32 s7, s19  }
0xa3: {  	s10 =	simm.s32 $0x0;
	s20 =	sshll.u32 s8, $0x1;
	s8 =	sadd.s32 s21, s6  }
0xa4: {  	[timem:s10], [sflag:s22] =	dma.local [hbm:s8], s20  }
0xa5: {  	_ =	swait.ge [sflag:s22], s20  }
0xa6: {  	s7 =	ssub.s32 $0x0, s20;
	[sflag:s22] =	ssyncset.done $0x0  }
0xa7: {  	[sflag:s22] =	ssyncadd.s32 s7;
	_ =	sdelay $0x1  }
0xa8: {  	s23 =	simm.s32 $0x1B8B  }
0xa9: {  	_ =	swait.ge [sflag:s23], $0x1  }
0xaa: {  	[sflag:s23] =	ssyncset.done $0x0  }
0xab: {  	s25 =	simm.s32 $0x1B8E;
	s24 =	sld [smem:$0x3FFE];
	[sflag:s23] =	ssyncadd.s32 $0xFFFFFFFF  }
0xac: {  	s26 =	simm.s32 $execute0_lowered;
	[smem:$0x3FD2] =	sst s25  }
0xad: {  	s8 =	sshll.u32 s26, $0x1;
	_ =	strace $0x80000046;
	[dreg:$0x1] =	wrdreg $0xFFFFFFFF  }
0xae: {  	s28 =	simm.s32 $_size_execute0_lowered;
	s6 =	sadd.s32 s6, s8;
	[dreg:$0x0] =	wrdreg $0x0  }
0xaf: {  	s8 =	sshll.u32 s28, $0x1;
	[dreg:$0x2] =	wrdreg s6  }
0xb0: {  	[dreg:$0x3] =	wrdreg s8  }
0xb1: {  	[dreg:$0x4] =	wrdreg $0xC0  }
0xb2: {  	_ =	task [dreg:s10], $0x5FFFF  }
0xb3: {  	[dreg:$0x1] =	wrdreg $0xFFFFFFFF  }
0xb4: {  	[dreg:$0x0] =	wrdreg $0x60  }
0xb5: {  	[dreg:$0x2] =	wrdreg s15  }
0xb6: {  	[dreg:$0x3] =	wrdreg s4  }
0xb7: {  	[dreg:$0x4] =	wrdreg s16  }
0xb8: {  	[dreg:$0x5] =	wrdreg s17  }
0xb9: {  	[dreg:$0x6] =	wrdreg s24  }
0xba: {  	[dreg:$0x7] =	wrdreg $0x181000  }
0xbb: {  	[dreg:$0x8] =	wrdreg $0x9  }
0xbc: {  	_ =	task.clear_ibuf [dreg:s10], $0x9FFFF;
	_ =	strace $0x90000046  }
0xbd: {  	s29 =	simm.s32 $0x9;
	_ =	strace $0x80000048  }
0xbe: {  	_ =	swait.ge [sflag:s29], $0x1  }
0xbf: {  	[sflag:s29] =	ssyncadd.s32 $0xFFFFFFFF  }
0xc0: {  	_ =	strace $0x90000048  }
0xc1: {  	_ =	sfence  }
0xc2: {  	s30 =	sld [smem:$0x0];
	_ =	sdelay $0x2  }
0xc3: {  	s31 =	sshll.u32 s1, $0xD;
	s1 =	sshrl.u32 s1, $0x2  }
0xc4: {  	s3 =	sand.u32 $0x4000, s31;
	s1 =	sadd.s32 s1, s30  }
0xc5: {  	s0 =	sor.u32 s3, s0;
	s1 =	sshll.u32 s1, $0x11  }
0xc6: {  	s0 =	sor.u32 s1, s0  }
0xc7: {  	s0 =	sadd.s32 $0x8F2B, s0  }
0xc8: {  	[sflag:s0] =	ssyncadd.remote.s32 $0x1  }
0xc9: {  	_ =	sfence.sel $0xFFFF  }
0xca: {  	[dreg:$0x0] =	wrdreg $0xFFFFFFFF;
	(pc) =	sbr.abs _section_cstart, $3  }
0xcb: {  	[dreg:$0x1] =	wrdreg $0xFFFFFFFF  }
0xcc: {  	_ =	task.clear_ibuf [dreg:s10], $0x2FFFF;
	_ =	strace $0x9FFFFFFF  }
0xcd: {  	(tm) =	ssettm $0x7FFFFFFF  }
tec
execute0_lowered:
.L_overlay_start_1:
0x0: {  	(tag) =	ssettag $0x1  }
0x1: {  	s3 =	rddreg [dreg:$0x0]  }
0x2: {  	s4 =	rddreg [dreg:$0x1]  }
0x3: {  	s5 =	rddreg [dreg:$0x2]  }
0x4: {  	s8 =	rddreg [dreg:$0x3]  }
0x5: {  	s6 =	rddreg [dreg:$0x4]  }
0x6: {  	s1 =	rddreg [dreg:$0x5]  }
0x7: {  	s2 =	srdreg.scid;
	s0 =	rddreg [dreg:$0x6]  }
0x8: {  	s16 =	stileid.u32;
	s14 =	simm.s32 $0x8580;
	s15 =	simm.s32 $0x10280  }
0x9: {  	s17 =	simm.s32 $0x18080;
	s18 =	simm.s32 $0x18000;
	s19 =	simm.s32 $0x0  }
0xa: {  	s7 =	sand.u32 $0x1, s2;
	s2 =	simm.s32 $0x0;
	s11 =	sshll.u32 s16, $0x4  }
0xb: {  	p0 =	sne.s32 s16, $0x0;
	s9 =	sshll.u32 s7, $0x4;
	[smem:$0x7FF] =	sst s2  }
0xc: {  	s12 =	sand.u32 $0x70, s11;
	s13 =	ssub.s32 $0x2, s7;
	s31 =	sshll.u32 s7, $0x1  }
0xd: {  	s7 =	sadd.s32 s11, s1;
	s11 =	simm.s32 $0x2;
	s9 =	sor.u32 s16, s9  }
0xe: {  	_ =	strace $0x80000047;
	s30 =	sshrl.u32 s13, $0x1;
	s10 =	sshll.u32 s9, $0x4  }
0xf: {  	s8 =	sadd.s32 s8, s31;
	s9 =	sshll.u32 s9, $0x8;
	s10 =	sand.u32 $0x180, s10  }
0x10: {  	v0 =	vimm.f32 $0.0e+00;
	v1 =	vimm.f32 $1.000000000e+00;
	v2 =	vlaneseq.u32;
	s16 =	simm.s32 $0x17F80;
	s3 =	sadd.s32 s3, s9;
	s10 =	sor.u32 s12, s10  }
0x11: {  	v4 =	vimm.s32 $0x0;
	v3 =	vor.u32 $0x80000000, v2;
	v5 =	vor.u32 $0x10, v2;
	s12 =	ssub.s32 s13, s30;
	s13 =	simm.s32 $0x1;
	s6 =	sadd.s32 s10, s6  }
0x12: {  	v6 =	vor.u32 $0x20, v2;
	v7 =	vor.u32 $0x30, v2;
	v8 =	vor.u32 $0x40, v2;
	s4 =	sadd.s32 s4, s10;
	s5 =	sadd.s32 s5, s10;
	s9 =	smax.u32 s12, $0x1  }
0x13: {  	v9 =	vor.u32 $0x50, v2;
	v10 =	vor.u32 $0x60, v2;
	v11 =	vor.u32 $0x70, v2;
	s10 =	simm.s32 $0x800;
	s12 =	simm.s32 $0x880;
	s6 =	sadd.s32 $0x800, s6  }
.LBB2_1:
0x14: {  	[tilespmem:s2], [sflag:$0x1] =	stream.linear.gather [hbm4b:s3+s2], $0x800, $0x38;
	[tilespmem:$0x18210] =	vst v63  }
0x15: {  	_ = 	snop  }
0x16: {  	[tilespmem:s10], [sflag:$0x2] =	stream.linear.gather [hbm4b:s4+s2], $0x80, $0x38;
	[tilespmem:$0x18210] =	vst v63  }
0x17: {  	_ =	swait.ge [sflag:s11], $0x80  }
0x18: {  	[sflag:s11] =	ssyncset.done $0x0  }
0x19: {  	[sflag:s11] =	ssyncadd.s32 $0xFFFFFF80  }
0x1a: {  	v12 =	vld [tilespmem:$0x800]  }
0x1b: {  	v13 =	vld [tilespmem:$0x810]  }
0x1c: {  	v14 =	vld [tilespmem:$0x820]  }
0x1d: {  	v15 =	vld [tilespmem:$0x830]  }
0x1e: {  	v20 =	vld [tilespmem:$0x840]  }
0x1f: {  	v21 =	vld [tilespmem:$0x850]  }
0x20: {  	v22 =	vld [tilespmem:$0x860]  }
0x21: {  	v23 =	vld [tilespmem:$0x870]  }
0x22: {  	[tilespmem:v12+s12+$0x0] =	vst.idx.msk $0xffff, v0  }
0x23: {  	[tilespmem:v13+s12+$0x0] =	vst.idx.msk $0xffff, v0  }
0x24: {  	[tilespmem:v14+s12+$0x0] =	vst.idx.msk $0xffff, v0  }
0x25: {  	[tilespmem:v15+s12+$0x0] =	vst.idx.msk $0xffff, v0  }
0x26: {  	[tilespmem:v20+s12+$0x0] =	vst.idx.msk $0xffff, v0  }
0x27: {  	[tilespmem:v21+s12+$0x0] =	vst.idx.msk $0xffff, v0  }
0x28: {  	[tilespmem:v22+s12+$0x0] =	vst.idx.msk $0xffff, v0  }
0x29: {  	[tilespmem:v23+s12+$0x0] =	vst.idx.msk $0xffff, v0  }
0x2a: {  	_ =	swait.ge [sflag:s13], $0x800  }
0x2b: {  	[sflag:s13] =	ssyncset.done $0x0  }
0x2c: {  	s20 =	simm.s32 $0xFFFFFFFC;
	s21 =	simm.s32 $0x0;
	[sflag:s13] =	ssyncadd.s32 $0xFFFFF800  }
.LBB2_2:
0x2d: {  	s22 =	sand.u32 $0x7C0, s21  }
0x2e: {  	v16 =	vld [tilespmem:s22+$0x0];
	_ =	sdelay $0x7  }
0x2f: {  	[tilespmem:v16+s12+$0x0] =	vst.idx.msk $0xffff, v0  }
0x30: {  	v16 =	vld [tilespmem:s22+$0x10];
	_ =	sdelay $0x7  }
0x31: {  	[tilespmem:v16+s12+$0x0] =	vst.idx.msk $0xffff, v0  }
0x32: {  	v16 =	vld [tilespmem:s22+$0x20];
	_ =	sdelay $0x7  }
0x33: {  	[tilespmem:v16+s12+$0x0] =	vst.idx.msk $0xffff, v0  }
0x34: {  	v16 =	vld [tilespmem:s22+$0x30];
	_ =	sdelay $0x1  }
0x35: {  	s20 =	sadd.s32 $0x4, s20  }
0x36: {  	p1 =	slt.u32 s20, $0x7C  }
.Ltmp0:
0x37: {  	_ = 	snop;
	(pc) =	sbr.rel @p1 .LBB2_2-.Ltmp0, $2  }
0x38: {  	_ =	sdelay $0x2  }
0x39: {  	s21 =	sadd.s32 $0x40, s21;
	[tilespmem:v16+s12+$0x0] =	vst.idx.msk $0xffff, v0  }
0x3a: {  	vm0 =	vne.s32 v12, $0x0  }
0x3b: {  	vm1 =	vne.s32 v13, $0x0  }
0x3c: {  	vm2 =	vne.s32 v14, $0x0  }
0x3d: {  	vm3 =	vne.s32 v15, $0x0  }
0x3e: {  	vm4 =	vne.s32 v20, $0x0  }
0x3f: {  	vm5 =	vne.s32 v21, $0x0  }
0x40: {  	[tilespmem:v12+s12+$0x0] =	vst.idx.add.f32.msk vm0, v1;
	vm0 =	vne.s32 v22, $0x0  }
0x41: {  	[tilespmem:v13+s12+$0x0] =	vst.idx.add.f32.msk vm1, v1;
	vm1 =	vne.s32 v23, $0x0  }
0x42: {  	[tilespmem:v14+s12+$0x0] =	vst.idx.add.f32.msk vm2, v1  }
0x43: {  	[tilespmem:v15+s12+$0x0] =	vst.idx.add.f32.msk vm3, v1  }
0x44: {  	[tilespmem:v20+s12+$0x0] =	vst.idx.add.f32.msk vm4, v1  }
0x45: {  	[tilespmem:v21+s12+$0x0] =	vst.idx.add.f32.msk vm5, v1  }
0x46: {  	[tilespmem:v22+s12+$0x0] =	vst.idx.add.f32.msk vm0, v1  }
0x47: {  	[tilespmem:v23+s12+$0x0] =	vst.idx.add.f32.msk vm1, v1  }
0x48: {  	v19 =	vld.idx.msk [tilespmem:v12+s12+$0x0], $0xffff  }
0x49: {  	v18 =	vld.idx.msk [tilespmem:v13+s12+$0x0], $0xffff  }
0x4a: {  	v17 =	vld.idx.msk [tilespmem:v14+s12+$0x0], $0xffff  }
0x4b: {  	v16 =	vld.idx.msk [tilespmem:v15+s12+$0x0], $0xffff  }
0x4c: {  	v15 =	vld.idx.msk [tilespmem:v20+s12+$0x0], $0xffff  }
0x4d: {  	v14 =	vld.idx.msk [tilespmem:v21+s12+$0x0], $0xffff  }
0x4e: {  	v13 =	vld.idx.msk [tilespmem:v22+s12+$0x0], $0xffff  }
0x4f: {  	s20 =	simm.s32 $0x80;
	v12 =	vld.idx.msk [tilespmem:v23+s12+$0x0], $0xffff  }
0x50: {  	v20 =	vld [tilespmem:s20+$0x70]  }
0x51: {  	v21 =	vld [tilespmem:s20+$0x60]  }
0x52: {  	v22 =	vld [tilespmem:s20+$0x50]  }
0x53: {  	v23 =	vld [tilespmem:s20+$0x40]  }
0x54: {  	v24 =	vld [tilespmem:s20+$0x30]  }
0x55: {  	v25 =	vld [tilespmem:s20+$0x20]  }
0x56: {  	v26 =	vld [tilespmem:s20+$0xFFFFFFF0]  }
0x57: {  	v27 =	vld [tilespmem:s20+$0xFFFFFFE0]  }
0x58: {  	v28 =	vld [tilespmem:s20+$0xFFFFFF80]  }
0x59: {  	v30 =	vld [tilespmem:s20+$0x0]  }
0x5a: {  	v32 =	vld [tilespmem:s20+$0xFFFFFF90]  }
0x5b: {  	v34 =	vld [tilespmem:s20+$0x10]  }
0x5c: {  	v35 =	vld [tilespmem:s20+$0xFFFFFFA0]  }
0x5d: {  	v29 =	vld [tilespmem:s20+$0xFFFFFFD0]  }
0x5e: {  	v33 =	vld [tilespmem:s20+$0xFFFFFFB0]  }
0x5f: {  	v31 =	vld [tilespmem:s20+$0xFFFFFFC0]  }
0x60: {  	v36 =	vld.idx.msk [tilespmem:v28+s12+$0x0], $0xffff;
	[tilespmem:v28+s14+$0x0] =	vst.idx.msk $0xffff, v0  }
0x61: {  	v37 =	vld.idx.msk [tilespmem:v30+s12+$0x0], $0xffff;
	[tilespmem:v30+s15+$0x0] =	vst.idx.msk $0xffff, v0  }
0x62: {  	v38 =	vld.idx.msk [tilespmem:v32+s12+$0x0], $0xffff;
	[tilespmem:v32+s14+$0x0] =	vst.idx.msk $0xffff, v0  }
0x63: {  	v39 =	vld.idx.msk [tilespmem:v34+s12+$0x0], $0xffff;
	[tilespmem:v34+s15+$0x0] =	vst.idx.msk $0xffff, v0  }
0x64: {  	v40 =	vld.idx.msk [tilespmem:v35+s12+$0x0], $0xffff;
	[tilespmem:v35+s14+$0x0] =	vst.idx.msk $0xffff, v0  }
0x65: {  	v41 =	vld.idx.msk [tilespmem:v25+s12+$0x0], $0xffff;
	[tilespmem:v25+s15+$0x0] =	vst.idx.msk $0xffff, v0  }
0x66: {  	v42 =	vld.idx.msk [tilespmem:v33+s12+$0x0], $0xffff;
	[tilespmem:v33+s14+$0x0] =	vst.idx.msk $0xffff, v0  }
0x67: {  	v43 =	vld.idx.msk [tilespmem:v24+s12+$0x0], $0xffff;
	[tilespmem:v24+s15+$0x0] =	vst.idx.msk $0xffff, v0  }
0x68: {  	v44 =	vld.idx.msk [tilespmem:v31+s12+$0x0], $0xffff;
	[tilespmem:v31+s14+$0x0] =	vst.idx.msk $0xffff, v0  }
0x69: {  	v45 =	vld.idx.msk [tilespmem:v23+s12+$0x0], $0xffff;
	[tilespmem:v23+s15+$0x0] =	vst.idx.msk $0xffff, v0  }
0x6a: {  	vm0 =	vne.s32 v28, $0x0;
	v46 =	vld.idx.msk [tilespmem:v29+s12+$0x0], $0xffff;
	[tilespmem:v29+s14+$0x0] =	vst.idx.msk $0xffff, v0  }
0x6b: {  	vm1 =	vne.s32 v30, $0x0;
	v47 =	vld.idx.msk [tilespmem:v22+s12+$0x0], $0xffff;
	[tilespmem:v22+s15+$0x0] =	vst.idx.msk $0xffff, v0  }
0x6c: {  	vm2 =	vne.s32 v32, $0x0;
	v48 =	vld.idx.msk [tilespmem:v27+s12+$0x0], $0xffff;
	[tilespmem:v27+s14+$0x0] =	vst.idx.msk $0xffff, v0  }
0x6d: {  	vm3 =	vne.s32 v34, $0x0;
	v49 =	vld.idx.msk [tilespmem:v21+s12+$0x0], $0xffff;
	[tilespmem:v21+s15+$0x0] =	vst.idx.msk $0xffff, v0  }
0x6e: {  	vm12 =	vne.s32 v35, $0x0;
	v50 =	vld.idx.msk [tilespmem:v26+s12+$0x0], $0xffff;
	[tilespmem:v26+s14+$0x0] =	vst.idx.msk $0xffff, v0  }
0x6f: {  	vm13 =	vne.s32 v25, $0x0;
	v51 =	vld.idx.msk [tilespmem:v20+s12+$0x0], $0xffff;
	[tilespmem:v20+s15+$0x0] =	vst.idx.msk $0xffff, v0  }
0x70: {  	[tilespmem:v28+s14+$0x0] =	vst.idx.add.f32.msk vm0, v1;
	vm0 =	vne.s32 v33, $0x0  }
0x71: {  	[tilespmem:v30+s15+$0x0] =	vst.idx.add.f32.msk vm1, v1;
	vm1 =	vne.s32 v24, $0x0  }
0x72: {  	[tilespmem:v32+s14+$0x0] =	vst.idx.add.f32.msk vm2, v1;
	vm2 =	vne.s32 v31, $0x0  }
0x73: {  	[tilespmem:v34+s15+$0x0] =	vst.idx.add.f32.msk vm3, v1;
	vm3 =	vne.s32 v23, $0x0  }
0x74: {  	vm14 =	vne.s32 v29, $0x0;
	[tilespmem:v35+s14+$0x0] =	vst.idx.add.f32.msk vm12, v1  }
0x75: {  	vm15 =	vne.s32 v22, $0x0;
	[tilespmem:v25+s15+$0x0] =	vst.idx.add.f32.msk vm13, v1  }
0x76: {  	[tilespmem:v33+s14+$0x0] =	vst.idx.add.f32.msk vm0, v1;
	vm0 =	vne.s32 v27, $0x0  }
0x77: {  	[tilespmem:v24+s15+$0x0] =	vst.idx.add.f32.msk vm1, v1;
	vm1 =	vne.s32 v21, $0x0  }
0x78: {  	[tilespmem:v31+s14+$0x0] =	vst.idx.add.f32.msk vm2, v1;
	vm2 =	vne.s32 v26, $0x0  }
0x79: {  	[tilespmem:v23+s15+$0x0] =	vst.idx.add.f32.msk vm3, v1;
	vm3 =	vne.s32 v20, $0x0  }
0x7a: {  	[tilespmem:v29+s14+$0x0] =	vst.idx.add.f32.msk vm14, v1  }
0x7b: {  	[tilespmem:v22+s15+$0x0] =	vst.idx.add.f32.msk vm15, v1  }
0x7c: {  	[tilespmem:v27+s14+$0x0] =	vst.idx.add.f32.msk vm0, v1  }
0x7d: {  	[tilespmem:v21+s15+$0x0] =	vst.idx.add.f32.msk vm1, v1  }
0x7e: {  	[tilespmem:v26+s14+$0x0] =	vst.idx.add.f32.msk vm2, v1  }
0x7f: {  	[tilespmem:v20+s15+$0x0] =	vst.idx.add.f32.msk vm3, v1  }
0x80: {  	v28 =	vld.idx.msk [tilespmem:v28+s14+$0x0], $0xffff  }
0x81: {  	v30 =	vld.idx.msk [tilespmem:v30+s15+$0x0], $0xffff  }
0x82: {  	v32 =	vld.idx.msk [tilespmem:v32+s14+$0x0], $0xffff  }
0x83: {  	v34 =	vld.idx.msk [tilespmem:v34+s15+$0x0], $0xffff  }
0x84: {  	v36 =	vadd.f32 $0.0e+00, v36;
	v35 =	vld.idx.msk [tilespmem:v35+s14+$0x0], $0xffff  }
0x85: {  	v37 =	vadd.f32 $0.0e+00, v37;
	v25 =	vld.idx.msk [tilespmem:v25+s15+$0x0], $0xffff  }
0x86: {  	v36 =	vadd.f32 v38, v36;
	v33 =	vld.idx.msk [tilespmem:v33+s14+$0x0], $0xffff  }
0x87: {  	v37 =	vadd.f32 v39, v37;
	v24 =	vld.idx.msk [tilespmem:v24+s15+$0x0], $0xffff;
	v28 =	vadd.f32 $0.0e+00, v28  }
0x88: {  	v36 =	vadd.f32 v40, v36;
	v31 =	vld.idx.msk [tilespmem:v31+s14+$0x0], $0xffff;
	v30 =	vadd.f32 $0.0e+00, v30  }
0x89: {  	v37 =	vadd.f32 v41, v37;
	v23 =	vld.idx.msk [tilespmem:v23+s15+$0x0], $0xffff;
	v28 =	vadd.f32 v32, v28  }
0x8a: {  	v57 =	vadd.f32 v42, v36;
	v29 =	vld.idx.msk [tilespmem:v29+s14+$0x0], $0xffff;
	v30 =	vadd.f32 v34, v30  }
0x8b: {  	v58 =	vadd.f32 v43, v37;
	v22 =	vld.idx.msk [tilespmem:v22+s15+$0x0], $0xffff;
	v28 =	vadd.f32 v35, v28  }
0x8c: {  	v27 =	vld.idx.msk [tilespmem:v27+s14+$0x0], $0xffff;
	v32 =	vadd.f32 v44, v57;
	v25 =	vadd.f32 v25, v30  }
0x8d: {  	v30 =	vld.idx.msk [tilespmem:v21+s15+$0x0], $0xffff;
	v21 =	vadd.f32 v45, v58;
	v28 =	vadd.f32 v33, v28  }
0x8e: {  	v59 =	vld.idx.msk [tilespmem:v26+s14+$0x0], $0xffff;
	v26 =	vadd.f32 v46, v32;
	v24 =	vadd.f32 v24, v25  }
0x8f: {  	v25 =	vadd.f32 v47, v21;
	v28 =	vadd.f32 v31, v28  }
0x90: {  	v26 =	vadd.f32 v48, v26;
	v31 =	vadd.f32 v23, v24  }
0x91: {  	s21 =	simm.s32 $0x180;
	v20 =	vld.idx.msk [tilespmem:v20+s15+$0x0], $0xffff;
	v25 =	vadd.f32 v49, v25;
	v28 =	vadd.f32 v29, v28  }
0x92: {  	v37 =	vld [tilespmem:s21+$0x0];
	v29 =	vadd.f32 v50, v26;
	v22 =	vadd.f32 v22, v31  }
0x93: {  	v36 =	vld [tilespmem:s21+$0xFFFFFF90];
	v25 =	vadd.f32 v51, v25;
	v27 =	vadd.f32 v27, v28  }
0x94: {  	v34 =	vld [tilespmem:s21+$0xFFFFFF80];
	(xrf2) =	vadd.scan.msk.f32 $0xffff, v29  }
0x95: {  	v32 =	vld [tilespmem:s21+$0xFFFFFFB0];
	v22 =	vadd.f32 v30, v22;
	(xrf2) =	vadd.scan.msk.f32 $0xffff, v25;
	v29 =	vadd.f32 v59, v27  }
0x96: {  	v35 =	vld [tilespmem:s21+$0x10]  }
0x97: {  	v21 =	vld [tilespmem:s21+$0x70];
	v20 =	vadd.f32 v20, v22;
	(xrf2) =	vadd.scan.msk.f32 $0xffff, v29  }
0x98: {  	v33 =	vld [tilespmem:s21+$0xFFFFFFA0]  }
0x99: {  	v23 =	vld [tilespmem:s21+$0x60];
	(xrf2) =	vadd.scan.msk.f32 $0xffff, v20  }
0x9a: {  	v24 =	vld [tilespmem:s21+$0x50]  }
0x9b: {  	v26 =	vld [tilespmem:s21+$0x40]  }
0x9c: {  	v31 =	vld [tilespmem:s21+$0xFFFFFFC0]  }
0x9d: {  	v40 =	vld.idx.msk [tilespmem:v34+s12+$0x0], $0xffff  }
0x9e: {  	s31 =	simm.s32 $0x0;
	s22 =	simm.s32 $0x1;
	v28 =	vld [tilespmem:s21+$0x30];
	v20, _, _ =	vpop (xrf2)  }
0x9f: {  	v61 =	vmov s31;
	v62 =	vmov s22;
	v30 =	vld [tilespmem:s21+$0x20];
	v60, _, _ =	vpop (xrf2);
	v20 =	vbroadcast v20, $0xF  }
0xa0: {  	vm0 =	veq.s32 v61, v2;
	v25 =	vld [tilespmem:s21+$0xFFFFFFF0];
	v22 =	vimm.f32 $0.0e+00;
	v38 =	vbroadcast v60, $0xF  }
0xa1: {  	vm1 =	veq.s32 v62, v2;
	v27 =	vld [tilespmem:s21+$0xFFFFFFE0];
	v20 =	vsel vm0, v20, v22;
	v63, _, _ =	vpop (xrf2)  }
0xa2: {  	v29 =	vld [tilespmem:s21+$0xFFFFFFD0];
	[tilespmem:v34+s14+$0x0] =	vst.idx.msk $0xffff, v0;
	v20 =	vsel vm1, v38, v20;
	v38 =	vbroadcast v63, $0xF  }
0xa3: {  	s22 =	simm.s32 $0x4;
	s20 =	simm.s32 $0x2;
	v41 =	vld.idx.msk [tilespmem:v37+s12+$0x0], $0xffff;
	[tilespmem:v37+s15+$0x0] =	vst.idx.msk $0xffff, v0;
	v39, _, _ =	vpop (xrf2)  }
.LBB2_4:
0xa4: {  	p1 =	sne.s32 s22, $0xE;
	v42 =	vld.idx.msk [tilespmem:v36+s12+$0x0], $0xffff;
	v22 =	vsel vm0, v38, v22;
	v38 =	vbroadcast v39, $0xF;
	s23 =	smov.u32 s22;
	s22 =	sadd.s32 $0x2, s22  }
0xa5: {  	[tilespmem:v36+s14+$0x0] =	vst.idx.msk $0xffff, v0  }
0xa6: {  	v39 =	vld.idx.msk [tilespmem:v35+s12+$0x0], $0xffff;
	v22 =	vsel vm1, v38, v22  }
0xa7: {  	[tilespmem:v35+s15+$0x0] =	vst.idx.msk $0xffff, v0  }
0xa8: {  	v38 =	vld.idx.msk [tilespmem:v33+s12+$0x0], $0xffff  }
0xa9: {  	[tilespmem:v33+s14+$0x0] =	vst.idx.msk $0xffff, v0  }
0xaa: {  	v43 =	vld.idx.msk [tilespmem:v30+s12+$0x0], $0xffff  }
0xab: {  	[tilespmem:v30+s15+$0x0] =	vst.idx.msk $0xffff, v0  }
0xac: {  	v44 =	vld.idx.msk [tilespmem:v32+s12+$0x0], $0xffff  }
0xad: {  	[tilespmem:v32+s14+$0x0] =	vst.idx.msk $0xffff, v0  }
0xae: {  	v45 =	vld.idx.msk [tilespmem:v28+s12+$0x0], $0xffff  }
0xaf: {  	[tilespmem:v28+s15+$0x0] =	vst.idx.msk $0xffff, v0  }
0xb0: {  	v46 =	vld.idx.msk [tilespmem:v31+s12+$0x0], $0xffff  }
0xb1: {  	[tilespmem:v31+s14+$0x0] =	vst.idx.msk $0xffff, v0  }
0xb2: {  	v47 =	vld.idx.msk [tilespmem:v26+s12+$0x0], $0xffff  }
0xb3: {  	[tilespmem:v26+s15+$0x0] =	vst.idx.msk $0xffff, v0  }
0xb4: {  	v40 =	vadd.f32 $0.0e+00, v40;
	v48 =	vld.idx.msk [tilespmem:v29+s12+$0x0], $0xffff  }
0xb5: {  	[tilespmem:v29+s14+$0x0] =	vst.idx.msk $0xffff, v0  }
0xb6: {  	v41 =	vadd.f32 $0.0e+00, v41;
	v40 =	vadd.f32 v42, v40;
	v42 =	vld.idx.msk [tilespmem:v24+s12+$0x0], $0xffff  }
0xb7: {  	[tilespmem:v24+s15+$0x0] =	vst.idx.msk $0xffff, v0  }
0xb8: {  	v39 =	vadd.f32 v39, v41;
	v38 =	vadd.f32 v38, v40;
	v40 =	vld.idx.msk [tilespmem:v27+s12+$0x0], $0xffff  }
0xb9: {  	[tilespmem:v27+s14+$0x0] =	vst.idx.msk $0xffff, v0  }
0xba: {  	vm0 =	vne.s32 v34, $0x0;
	v39 =	vadd.f32 v43, v39;
	v38 =	vadd.f32 v44, v38;
	v41 =	vld.idx.msk [tilespmem:v23+s12+$0x0], $0xffff  }
0xbb: {  	vm1 =	vne.s32 v37, $0x0;
	[tilespmem:v23+s15+$0x0] =	vst.idx.msk $0xffff, v0  }
0xbc: {  	vm2 =	vne.s32 v36, $0x0;
	v39 =	vadd.f32 v45, v39;
	v38 =	vadd.f32 v46, v38;
	v43 =	vld.idx.msk [tilespmem:v25+s12+$0x0], $0xffff  }
0xbd: {  	vm3 =	vne.s32 v35, $0x0;
	[tilespmem:v25+s14+$0x0] =	vst.idx.msk $0xffff, v0  }
0xbe: {  	vm4 =	vne.s32 v33, $0x0;
	v39 =	vadd.f32 v47, v39;
	v38 =	vadd.f32 v48, v38;
	v44 =	vld.idx.msk [tilespmem:v21+s12+$0x0], $0xffff  }
0xbf: {  	vm5 =	vne.s32 v30, $0x0;
	[tilespmem:v21+s15+$0x0] =	vst.idx.msk $0xffff, v0  }
0xc0: {  	v39 =	vadd.f32 v42, v39;
	v38 =	vadd.f32 v40, v38;
	[tilespmem:v34+s14+$0x0] =	vst.idx.add.f32.msk vm0, v1;
	vm0 =	vne.s32 v32, $0x0  }
0xc1: {  	[tilespmem:v37+s15+$0x0] =	vst.idx.add.f32.msk vm1, v1;
	vm1 =	vne.s32 v28, $0x0  }
0xc2: {  	v39 =	vadd.f32 v41, v39;
	v38 =	vadd.f32 v43, v38;
	[tilespmem:v36+s14+$0x0] =	vst.idx.add.f32.msk vm2, v1;
	vm2 =	vne.s32 v31, $0x0  }
0xc3: {  	[tilespmem:v35+s15+$0x0] =	vst.idx.add.f32.msk vm3, v1;
	vm3 =	vne.s32 v26, $0x0  }
0xc4: {  	v39 =	vadd.f32 v44, v39;
	[tilespmem:v33+s14+$0x0] =	vst.idx.add.f32.msk vm4, v1;
	vm4 =	vne.s32 v29, $0x0;
	(xrf2) =	vadd.scan.msk.f32 $0xffff, v38  }
0xc5: {  	[tilespmem:v30+s15+$0x0] =	vst.idx.add.f32.msk vm5, v1;
	vm5 =	vne.s32 v24, $0x0  }
0xc6: {  	[tilespmem:v32+s14+$0x0] =	vst.idx.add.f32.msk vm0, v1;
	vm0 =	vne.s32 v27, $0x0  }
0xc7: {  	[tilespmem:v28+s15+$0x0] =	vst.idx.add.f32.msk vm1, v1;
	vm1 =	vne.s32 v23, $0x0;
	(xrf2) =	vadd.scan.msk.f32 $0xffff, v39  }
0xc8: {  	[tilespmem:v31+s14+$0x0] =	vst.idx.add.f32.msk vm2, v1;
	vm2 =	vne.s32 v25, $0x0  }
0xc9: {  	[tilespmem:v26+s15+$0x0] =	vst.idx.add.f32.msk vm3, v1;
	vm3 =	vne.s32 v21, $0x0  }
0xca: {  	[tilespmem:v29+s14+$0x0] =	vst.idx.add.f32.msk vm4, v1  }
0xcb: {  	[tilespmem:v24+s15+$0x0] =	vst.idx.add.f32.msk vm5, v1  }
0xcc: {  	[tilespmem:v27+s14+$0x0] =	vst.idx.add.f32.msk vm0, v1  }
0xcd: {  	[tilespmem:v23+s15+$0x0] =	vst.idx.add.f32.msk vm1, v1  }
0xce: {  	[tilespmem:v25+s14+$0x0] =	vst.idx.add.f32.msk vm2, v1;
	v38, _, _ =	vpop (xrf2)  }
0xcf: {  	[tilespmem:v21+s15+$0x0] =	vst.idx.add.f32.msk vm3, v1;
	v38 =	vbroadcast v38, $0xF  }
0xd0: {  	v34 =	vld.idx.msk [tilespmem:v34+s14+$0x0], $0xffff  }
0xd1: {  	s24 =	sadd.s32 $0x1, s20;
	v39 =	vmov s20;
	s20 =	smov.u32 s23;
	v37 =	vld.idx.msk [tilespmem:v37+s15+$0x0], $0xffff;
	v40, _, _ =	vpop (xrf2)  }
0xd2: {  	vm0 =	veq.s32 v39, v2;
	v39 =	vmov s24;
	v36 =	vld.idx.msk [tilespmem:v36+s14+$0x0], $0xffff;
	v40 =	vbroadcast v40, $0xF  }
0xd3: {  	vm1 =	veq.s32 v39, v2;
	v20 =	vsel vm0, v38, v20;
	v35 =	vld.idx.msk [tilespmem:v35+s15+$0x0], $0xffff  }
0xd4: {  	v33 =	vld.idx.msk [tilespmem:v33+s14+$0x0], $0xffff;
	v20 =	vsel vm1, v40, v20  }
0xd5: {  	v30 =	vld.idx.msk [tilespmem:v30+s15+$0x0], $0xffff  }
0xd6: {  	v34 =	vadd.f32 $0.0e+00, v34;
	v32 =	vld.idx.msk [tilespmem:v32+s14+$0x0], $0xffff  }
0xd7: {  	v37 =	vadd.f32 $0.0e+00, v37;
	v28 =	vld.idx.msk [tilespmem:v28+s15+$0x0], $0xffff  }
0xd8: {  	v34 =	vadd.f32 v36, v34;
	v31 =	vld.idx.msk [tilespmem:v31+s14+$0x0], $0xffff  }
0xd9: {  	v35 =	vadd.f32 v35, v37;
	v26 =	vld.idx.msk [tilespmem:v26+s15+$0x0], $0xffff  }
0xda: {  	v33 =	vadd.f32 v33, v34;
	v29 =	vld.idx.msk [tilespmem:v29+s14+$0x0], $0xffff  }
0xdb: {  	v30 =	vadd.f32 v30, v35;
	v24 =	vld.idx.msk [tilespmem:v24+s15+$0x0], $0xffff  }
0xdc: {  	v32 =	vadd.f32 v32, v33;
	v27 =	vld.idx.msk [tilespmem:v27+s14+$0x0], $0xffff  }
0xdd: {  	v28 =	vadd.f32 v28, v30;
	v30 =	vld.idx.msk [tilespmem:v23+s15+$0x0], $0xffff  }
0xde: {  	v23 =	vadd.f32 v31, v32;
	v25 =	vld.idx.msk [tilespmem:v25+s14+$0x0], $0xffff  }
0xdf: {  	s21 =	sadd.s32 $0x100, s21;
	v26 =	vadd.f32 v26, v28;
	v31 =	vld.idx.msk [tilespmem:v21+s15+$0x0], $0xffff  }
0xe0: {  	v28 =	vadd.f32 v29, v23;
	v21 =	vld [tilespmem:s21+$0x70]  }
0xe1: {  	v29 =	vadd.f32 v24, v26;
	v23 =	vld [tilespmem:s21+$0x60]  }
0xe2: {  	v27 =	vadd.f32 v27, v28;
	v24 =	vld [tilespmem:s21+$0x50]  }
0xe3: {  	v29 =	vadd.f32 v30, v29;
	v26 =	vld [tilespmem:s21+$0x40]  }
0xe4: {  	v27 =	vadd.f32 v25, v27;
	v28 =	vld [tilespmem:s21+$0x30]  }
0xe5: {  	v31 =	vadd.f32 v31, v29;
	v30 =	vld [tilespmem:s21+$0x20]  }
0xe6: {  	v25 =	vld [tilespmem:s21+$0xFFFFFFF0];
	(xrf2) =	vadd.scan.msk.f32 $0xffff, v27  }
0xe7: {  	v27 =	vld [tilespmem:s21+$0xFFFFFFE0]  }
0xe8: {  	v34 =	vld [tilespmem:s21+$0xFFFFFF80]  }
0xe9: {  	v29 =	vld [tilespmem:s21+$0xFFFFFFD0];
	(xrf2) =	vadd.scan.msk.f32 $0xffff, v31  }
0xea: {  	v37 =	vld [tilespmem:s21+$0x0]  }
0xeb: {  	v31 =	vld [tilespmem:s21+$0xFFFFFFC0]  }
0xec: {  	v36 =	vld [tilespmem:s21+$0xFFFFFF90]  }
0xed: {  	v32 =	vld [tilespmem:s21+$0xFFFFFFB0]  }
0xee: {  	v35 =	vld [tilespmem:s21+$0x10]  }
.Ltmp1:
0xef: {  	v33 =	vld [tilespmem:s21+$0xFFFFFFA0];
	(pc) =	sbr.rel @p1 .LBB2_4-.Ltmp1, $4  }
0xf0: {  	v40 =	vld.idx.msk [tilespmem:v34+s12+$0x0], $0xffff;
	v38, _, _ =	vpop (xrf2)  }
0xf1: {  	[tilespmem:v34+s14+$0x0] =	vst.idx.msk $0xffff, v0  }
0xf2: {  	v38 =	vbroadcast v38, $0xF;
	v41 =	vld.idx.msk [tilespmem:v37+s12+$0x0], $0xffff  }
0xf3: {  	[tilespmem:v37+s15+$0x0] =	vst.idx.msk $0xffff, v0;
	v39, _, _ =	vpop (xrf2)  }
0xf4: {  	_ =	sdelay $0x3  }
0xf5: {  	v42 =	vld.idx.msk [tilespmem:v36+s12+$0x0], $0xffff;
	[tilespmem:v36+s14+$0x0] =	vst.idx.msk $0xffff, v0  }
0xf6: {  	v43 =	vld.idx.msk [tilespmem:v35+s12+$0x0], $0xffff;
	[tilespmem:v35+s15+$0x0] =	vst.idx.msk $0xffff, v0  }
0xf7: {  	v44 =	vld.idx.msk [tilespmem:v33+s12+$0x0], $0xffff;
	[tilespmem:v33+s14+$0x0] =	vst.idx.msk $0xffff, v0  }
0xf8: {  	v45 =	vld.idx.msk [tilespmem:v30+s12+$0x0], $0xffff;
	[tilespmem:v30+s15+$0x0] =	vst.idx.msk $0xffff, v0  }
0xf9: {  	v46 =	vld.idx.msk [tilespmem:v32+s12+$0x0], $0xffff;
	[tilespmem:v32+s14+$0x0] =	vst.idx.msk $0xffff, v0  }
0xfa: {  	v47 =	vld.idx.msk [tilespmem:v28+s12+$0x0], $0xffff;
	[tilespmem:v28+s15+$0x0] =	vst.idx.msk $0xffff, v0  }
0xfb: {  	v48 =	vld.idx.msk [tilespmem:v31+s12+$0x0], $0xffff;
	[tilespmem:v31+s14+$0x0] =	vst.idx.msk $0xffff, v0  }
0xfc: {  	v49 =	vld.idx.msk [tilespmem:v26+s12+$0x0], $0xffff;
	[tilespmem:v26+s15+$0x0] =	vst.idx.msk $0xffff, v0  }
0xfd: {  	vm2 =	vne.s32 v34, $0x0;
	v50 =	vld.idx.msk [tilespmem:v29+s12+$0x0], $0xffff;
	[tilespmem:v29+s14+$0x0] =	vst.idx.msk $0xffff, v0  }
0xfe: {  	vm3 =	vne.s32 v37, $0x0;
	v51 =	vld.idx.msk [tilespmem:v24+s12+$0x0], $0xffff;
	[tilespmem:v24+s15+$0x0] =	vst.idx.msk $0xffff, v0  }
0xff: {  	vm4 =	vne.s32 v36, $0x0;
	v52 =	vld.idx.msk [tilespmem:v27+s12+$0x0], $0xffff;
	[tilespmem:v27+s14+$0x0] =	vst.idx.msk $0xffff, v0  }
0x100: {  	vm5 =	vne.s32 v35, $0x0;
	v53 =	vld.idx.msk [tilespmem:v23+s12+$0x0], $0xffff;
	[tilespmem:v23+s15+$0x0] =	vst.idx.msk $0xffff, v0  }
0x101: {  	vm6 =	vne.s32 v33, $0x0;
	v54 =	vld.idx.msk [tilespmem:v25+s12+$0x0], $0xffff;
	[tilespmem:v25+s14+$0x0] =	vst.idx.msk $0xffff, v0  }
0x102: {  	vm7 =	vne.s32 v30, $0x0;
	v55 =	vld.idx.msk [tilespmem:v21+s12+$0x0], $0xffff;
	[tilespmem:v21+s15+$0x0] =	vst.idx.msk $0xffff, v0  }
0x103: {  	vm13 =	vne.s32 v32, $0x0;
	[tilespmem:v34+s14+$0x0] =	vst.idx.add.f32.msk vm2, v1  }
0x104: {  	vm14 =	vne.s32 v28, $0x0;
	[tilespmem:v37+s15+$0x0] =	vst.idx.add.f32.msk vm3, v1  }
0x105: {  	vm15 =	vne.s32 v31, $0x0;
	[tilespmem:v36+s14+$0x0] =	vst.idx.add.f32.msk vm4, v1  }
0x106: {  	vm9 =	vne.s32 v26, $0x0;
	[tilespmem:v35+s15+$0x0] =	vst.idx.add.f32.msk vm5, v1  }
0x107: {  	vm10 =	vne.s32 v29, $0x0;
	[tilespmem:v33+s14+$0x0] =	vst.idx.add.f32.msk vm6, v1  }
0x108: {  	vm11 =	vne.s32 v24, $0x0;
	[tilespmem:v30+s15+$0x0] =	vst.idx.add.f32.msk vm7, v1  }
0x109: {  	vm12 =	vne.s32 v27, $0x0;
	[tilespmem:v32+s14+$0x0] =	vst.idx.add.f32.msk vm13, v1  }
0x10a: {  	vm13 =	vne.s32 v23, $0x0;
	[tilespmem:v28+s15+$0x0] =	vst.idx.add.f32.msk vm14, v1  }
0x10b: {  	vm14 =	vne.s32 v25, $0x0;
	[tilespmem:v31+s14+$0x0] =	vst.idx.add.f32.msk vm15, v1  }
0x10c: {  	vm15 =	vne.s32 v21, $0x0;
	[tilespmem:v26+s15+$0x0] =	vst.idx.add.f32.msk vm9, v1  }
0x10d: {  	[tilespmem:v29+s14+$0x0] =	vst.idx.add.f32.msk vm10, v1  }
0x10e: {  	[tilespmem:v24+s15+$0x0] =	vst.idx.add.f32.msk vm11, v1  }
0x10f: {  	[tilespmem:v27+s14+$0x0] =	vst.idx.add.f32.msk vm12, v1  }
0x110: {  	[tilespmem:v23+s15+$0x0] =	vst.idx.add.f32.msk vm13, v1  }
0x111: {  	v19 =	vadd.f32 $0.0e+00, v19;
	[tilespmem:v25+s14+$0x0] =	vst.idx.add.f32.msk vm14, v1  }
0x112: {  	[tilespmem:v21+s15+$0x0] =	vst.idx.add.f32.msk vm15, v1  }
0x113: {  	v40 =	vadd.f32 $0.0e+00, v40;
	v18 =	vadd.f32 v18, v19;
	v34 =	vld.idx.msk [tilespmem:v34+s14+$0x0], $0xffff  }
0x114: {  	v41 =	vadd.f32 $0.0e+00, v41;
	v37 =	vld.idx.msk [tilespmem:v37+s15+$0x0], $0xffff  }
0x115: {  	v17 =	vadd.f32 v17, v18;
	v40 =	vadd.f32 v42, v40;
	v36 =	vld.idx.msk [tilespmem:v36+s14+$0x0], $0xffff  }
0x116: {  	v41 =	vadd.f32 v43, v41;
	v35 =	vld.idx.msk [tilespmem:v35+s15+$0x0], $0xffff  }
0x117: {  	v16 =	vadd.f32 v16, v17;
	v40 =	vadd.f32 v44, v40;
	v33 =	vld.idx.msk [tilespmem:v33+s14+$0x0], $0xffff  }
0x118: {  	v41 =	vadd.f32 v45, v41;
	v30 =	vld.idx.msk [tilespmem:v30+s15+$0x0], $0xffff;
	v34 =	vadd.f32 $0.0e+00, v34  }
0x119: {  	v15 =	vadd.f32 v15, v16;
	v32 =	vld.idx.msk [tilespmem:v32+s14+$0x0], $0xffff;
	v37 =	vadd.f32 $0.0e+00, v37  }
0x11a: {  	v40 =	vadd.f32 v46, v40;
	v28 =	vld.idx.msk [tilespmem:v28+s15+$0x0], $0xffff;
	v34 =	vadd.f32 v36, v34  }
0x11b: {  	v41 =	vadd.f32 v47, v41;
	v31 =	vld.idx.msk [tilespmem:v31+s14+$0x0], $0xffff;
	v35 =	vadd.f32 v35, v37  }
0x11c: {  	v40 =	vadd.f32 v48, v40;
	v26 =	vld.idx.msk [tilespmem:v26+s15+$0x0], $0xffff;
	v33 =	vadd.f32 v33, v34  }
0x11d: {  	v41 =	vadd.f32 v49, v41;
	v29 =	vld.idx.msk [tilespmem:v29+s14+$0x0], $0xffff;
	v30 =	vadd.f32 v30, v35  }
0x11e: {  	v49 =	vadd.f32 v50, v40;
	v24 =	vld.idx.msk [tilespmem:v24+s15+$0x0], $0xffff;
	v32 =	vadd.f32 v32, v33  }
0x11f: {  	v50 =	vadd.f32 v51, v41;
	v27 =	vld.idx.msk [tilespmem:v27+s14+$0x0], $0xffff;
	v28 =	vadd.f32 v28, v30  }
0x120: {  	v51 =	vadd.f32 v52, v49;
	v23 =	vld.idx.msk [tilespmem:v23+s15+$0x0], $0xffff;
	v52 =	vadd.f32 v31, v32  }
0x121: {  	v57 =	vld.idx.msk [tilespmem:v25+s14+$0x0], $0xffff;
	v58 =	vadd.f32 v26, v28  }
0x122: {  	v14 =	vadd.f32 v14, v15;
	v21 =	vld.idx.msk [tilespmem:v21+s15+$0x0], $0xffff;
	v59 =	vadd.f32 v29, v52  }
0x123: {  	v56 =	vadd.f32 v53, v50;
	v61 =	vadd.f32 v24, v58  }
0x124: {  	v60 =	vadd.f32 v54, v51;
	v62 =	vadd.f32 v27, v59  }
0x125: {  	v63 =	vadd.f32 v55, v56;
	v23 =	vadd.f32 v23, v61  }
0x126: {  	v13 =	vadd.f32 v13, v14;
	(xrf2) =	vadd.scan.msk.f32 $0xffff, v60;
	v25 =	vadd.f32 v57, v62  }
0x127: {  	(xrf2) =	vadd.scan.msk.f32 $0xffff, v63;
	v26 =	vadd.f32 v21, v23  }
0x128: {  	v12 =	vadd.f32 v12, v13;
	(xrf2) =	vadd.scan.msk.f32 $0xffff, v25  }
0x129: {  	(xrf2) =	vadd.scan.msk.f32 $0xffff, v26  }
0x12a: {  	(xrf2) =	vadd.scan.msk.f32 $0xffff, v12;
	_ =	sdelay $0x5  }
0x12b: {  	v27, _, _ =	vpop (xrf2)  }
0x12c: {  	s21 =	sadd.s32 $0x1, s20;
	v28, _, _ =	vpop (xrf2)  }
0x12d: {  	v34 =	vmov s21;
	v29 =	vbroadcast v39, $0xF;
	v30, _, _ =	vpop (xrf2)  }
0x12e: {  	v31 =	vsel vm0, v38, v22;
	v32 =	vmov s20;
	v15 =	vbroadcast v30, $0xF;
	v33, _, _ =	vpop (xrf2)  }
0x12f: {  	vm5 =	veq.s32 v32, v2;
	v14 =	vsel vm1, v29, v31;
	v17 =	vbroadcast v33, $0xF;
	v35, _, _ =	vpop (xrf2)  }
0x130: {  	vm6 =	veq.s32 v34, v2;
	v14 =	vsel vm5, v15, v14;
	v36 =	vbroadcast v35, $0xF  }
0x131: {  	v14 =	vsel vm6, v17, v14  }
0x132: {  	v14 =	vmul.f32 v14, v36;
	_ =	sdelay $0x1  }
0x133: {  	v15 =	vshra.s32 v14, $0x1;
	v14 =	vmul.f32 $5.000000000e-01, v14  }
0x134: {  	v15 =	vsub.s32 $0x5F3759DF, v15  }
0x135: {  	v37 =	vmul.f32 v15, v14;
	_ =	sdelay $0x1  }
0x136: {  	v16 =	vmul.f32 v15, v37;
	_ =	sdelay $0x1  }
0x137: {  	v16 =	vsub.f32 $1.500000000e+00, v16;
	_ =	sdelay $0x1  }
0x138: {  	v15 =	vmul.f32 v15, v16;
	_ =	sdelay $0x1  }
0x139: {  	v16 =	vmul.f32 v15, v14;
	_ =	sdelay $0x1  }
0x13a: {  	v16 =	vmul.f32 v16, v15;
	_ =	sdelay $0x1  }
0x13b: {  	v16 =	vsub.f32 $1.500000000e+00, v16;
	_ =	sdelay $0x1  }
0x13c: {  	v15 =	vmul.f32 v16, v15;
	_ =	sdelay $0x1  }
0x13d: {  	v16 =	vmul.f32 v15, v14;
	_ =	sdelay $0x1  }
0x13e: {  	v16 =	vmul.f32 v16, v15;
	_ =	sdelay $0x1  }
0x13f: {  	v16 =	vsub.f32 $1.500000000e+00, v16;
	_ =	sdelay $0x1  }
0x140: {  	v15 =	vmul.f32 v16, v15;
	_ =	sdelay $0x1  }
0x141: {  	v14 =	vmul.f32 v15, v14;
	_ =	sdelay $0x1  }
0x142: {  	v14 =	vmul.f32 v14, v15;
	_ =	sdelay $0x1  }
0x143: {  	v12 =	vbroadcast v27, $0xF;
	v14 =	vsub.f32 $1.500000000e+00, v14  }
0x144: {  	v13 =	vbroadcast v28, $0xF  }
0x145: {  	v12 =	vsel vm5, v12, v20;
	v14 =	vmul.f32 v14, v15  }
0x146: {  	v12 =	vsel vm6, v13, v12  }
0x147: {  	v12 =	vmul.f32 v14, v12;
	_ =	sdelay $0x1  }
0x148: {  	(xrf0) =	vmin.scan.msk.f32 $0xffff, v12;
	_ =	sdelay $0x5  }
0x149: {  	v38, _, _ =	vpop (xrf0)  }
0x14a: {  	v13 =	vbroadcast v38, $0xF;
	_ =	sdelay $0x1  }
0x14b: {  	vm7 =	veq.f32 v12, v13  }
0x14c: {  	v13 =	vnsel vm7, $0x80000010, v3  }
0x14d: {  	(xrf0) =	vmin.scan.msk.u32 $0xffff, v13;
	_ =	sdelay $0x5  }
0x14e: {  	v13, _, _ =	vpop (xrf0)  }
0x14f: {  	(v2sf) =	vpush v13, $0xF;
	_ =	sdelay $0xe  }
0x150: {  	s23 =	spop (v2sf)  }
0x151: {  	s20 =	sshll.u32 s23, $0x7  }
0x152: {  	v39 =	vor.u32 s20, v2;
	_ =	sdelay $0x4  }
0x153: {  	v13 =	vld.idx.msk [tilespmem:v39+s2+$0x0], $0xffff  }
0x154: {  	v40 =	vor.u32 s20, v5;
	_ =	sdelay $0x3  }
0x155: {  	[tilespmem:$0x17F80] =	vst v13  }
0x156: {  	v14 =	vld.idx.msk [tilespmem:v40+s2+$0x0], $0xffff  }
0x157: {  	v41 =	vor.u32 s20, v6;
	_ =	sdelay $0x3  }
0x158: {  	[tilespmem:$0x17F90] =	vst v14  }
0x159: {  	v15 =	vld.idx.msk [tilespmem:v41+s2+$0x0], $0xffff  }
0x15a: {  	v42 =	vor.u32 s20, v7;
	_ =	sdelay $0x3  }
0x15b: {  	[tilespmem:$0x17FA0] =	vst v15  }
0x15c: {  	v16 =	vld.idx.msk [tilespmem:v42+s2+$0x0], $0xffff  }
0x15d: {  	v43 =	vor.u32 s20, v8;
	_ =	sdelay $0x3  }
0x15e: {  	[tilespmem:$0x17FB0] =	vst v16  }
0x15f: {  	v17 =	vld.idx.msk [tilespmem:v43+s2+$0x0], $0xffff  }
0x160: {  	v44 =	vor.u32 s20, v9;
	_ =	sdelay $0x3  }
0x161: {  	[tilespmem:$0x17FC0] =	vst v17  }
0x162: {  	v18 =	vld.idx.msk [tilespmem:v44+s2+$0x0], $0xffff  }
0x163: {  	v45 =	vor.u32 s20, v10;
	_ =	sdelay $0x3  }
0x164: {  	[tilespmem:$0x17FD0] =	vst v18  }
0x165: {  	v19 =	vld.idx.msk [tilespmem:v45+s2+$0x0], $0xffff  }
0x166: {  	v46 =	vor.u32 s20, v11;
	_ =	sdelay $0x1  }
0x167: {  	vm8 =	vne.s32 v13, $0x0  }
0x168: {  	v13 =	vsel vm8, $0x1, v4;
	vm9 =	vne.s32 v14, $0x0  }
0x169: {  	(xrf0) =	vadd.scan.msk.s32 $0xffff, v13;
	v47 =	vsel vm9, $0x1, v4;
	vm10 =	vne.s32 v15, $0x0;
	[tilespmem:$0x17FE0] =	vst v19  }
0x16a: {  	(xrf0) =	vadd.scan.msk.s32 $0xffff, v47;
	v49 =	vsel vm10, $0x1, v4;
	vm11 =	vne.s32 v16, $0x0;
	v48 =	vld.idx.msk [tilespmem:v46+s2+$0x0], $0xffff  }
0x16b: {  	(xrf0) =	vadd.scan.msk.s32 $0xffff, v49;
	v50 =	vsel vm11, $0x1, v4  }
0x16c: {  	(xrf0) =	vadd.scan.msk.s32 $0xffff, v50;
	vm12 =	vne.s32 v17, $0x0  }
0x16d: {  	v51 =	vsel vm12, $0x1, v4;
	vm13 =	vne.s32 v18, $0x0  }
0x16e: {  	(xrf0) =	vadd.scan.msk.s32 $0xffff, v51;
	v52 =	vsel vm13, $0x1, v4;
	vm14 =	vne.s32 v19, $0x0  }
0x16f: {  	v54, _, _ =	vpop (xrf0);
	(xrf0) =	vadd.scan.msk.s32 $0xffff, v52;
	v53 =	vsel vm14, $0x1, v4;
	vm15 =	vne.s32 v48, $0x0  }
0x170: {  	(v2sf) =	vpush v54, $0xF;
	v56, _, _ =	vpop (xrf0);
	(xrf0) =	vadd.scan.msk.s32 $0xffff, v53;
	v55 =	vsel vm15, $0x1, v4  }
0x171: {  	(v2sf) =	vpush v56, $0xF;
	v57, _, _ =	vpop (xrf0);
	(xrf0) =	vadd.scan.msk.s32 $0xffff, v55  }
0x172: {  	(xrf1) =	vsort.ascd.msk.f32 $0xffff, v12, v12;
	(v2sf) =	vpush v57, $0xF;
	v58, _, _ =	vpop (xrf0)  }
0x173: {  	(v2sf) =	vpush v58, $0xF  }
0x174: {  	v59, _, _ =	vpop (xrf0)  }
0x175: {  	(v2sf) =	vpush v59, $0xF;
	v60, _, _ =	vpop (xrf0)  }
0x176: {  	(v2sf) =	vpush v60, $0xF;
	v61, _, _ =	vpop (xrf0)  }
0x177: {  	(v2sf) =	vpush v61, $0xF;
	v62, _, _ =	vpop (xrf0)  }
0x178: {  	(v2sf) =	vpush v62, $0xF;
	_ =	sdelay $0x6  }
0x179: {  	s24 =	spop (v2sf)  }
0x17a: {  	v12, _, _ =	vpop (xrf1);
	s25 =	spop (v2sf)  }
0x17b: {  	s20 =	sadd.s32 s24, s25;
	s22 =	spop (v2sf);
	[tilespmem:$0x18080] =	vst v12  }
0x17c: {  	s20 =	sadd.s32 s22, s20;
	s26 =	spop (v2sf);
	[tilespmem:$0x17FF0] =	vst v48  }
0x17d: {  	[hbm4b:s5+s2] =	stream.linear.scatter [tilespmem:s16], [sflag:$0x1], $0x80, $0x38;
	[tilespmem:$0x18210] =	vst v63  }
0x17e: {  	s20 =	sadd.s32 s26, s20;
	s28 =	spop (v2sf)  }
0x17f: {  	s20 =	sadd.s32 s28, s20;
	s29 =	spop (v2sf)  }
0x180: {  	s20 =	sadd.s32 s29, s20;
	s30 =	spop (v2sf)  }
0x181: {  	s20 =	sadd.s32 s30, s20;
	s31 =	spop (v2sf)  }
0x182: {  	s20 =	sadd.s32 s31, s20  }
0x183: {  	[hbm4b:s6+s2] =	stream.linear.scatter [tilespmem:s17], [sflag:$0x1], $0x80, $0x38;
	v63 =	vmov s20;
	[tilespmem:$0x18210] =	vst v63  }
0x184: {  	[tilespmem:$0x18000] =	vst v63  }
0x185: {  	[spmem:s7] =	stream.linear.scatter [tilespmem:s18], [sflag:$0x2], $0x10, $0x38;
	[tilespmem:$0x18210] =	vst v63  }
0x186: {  	_ =	swait.ge [sflag:s11], $0x10  }
0x187: {  	v12 =	vlaneseq.u32 @!p0;
	[sflag:s11] =	ssyncset.done $0x0  }
0x188: {  	v12 =	vmul.u32 @!p0 $0x10, v12;
	[sflag:s11] =	ssyncadd.s32 $0xFFFFFFF0  }
0x189: {  	s21 =	simm.s32 @!p0 $0x2;
	s20 =	simm.s32 @!p0 $0x18110;
	[bflag:$0x0] =	sbarrier.arrive $0xFFFF  }
0x18a: {  	[tilespmem:s20], [sflag:$0x2] =	stream.linear.gather @!p0 [spmem:s1], $0x100, $0x38;
	[tilespmem:$0x18210] =	vst v63  }
0x18b: {  	_ =	swait.ge @!p0 [sflag:s21], $0x100  }
0x18c: {  	[sflag:s21] =	ssyncset.done @!p0 $0x0  }
0x18d: {  	[sflag:s21] =	ssyncadd.s32 @!p0 $0xFFFFFF00  }
0x18e: {  	v12 =	vld.idx.msk @!p0 [tilespmem:v12+s20+$0x0], $0xffff;
	_ =	sdelay $0x4  }
0x18f: {  	s22 =	simm.s32 @!p0 $0x18000;
	s20 =	simm.s32 @!p0 $0x0;
	[tilespmem:$0x18000] =	vst @!p0 v12  }
0x190: {  	[hbm4b:s8+s20] =	stream.linear.scatter @!p0 [tilespmem:s22], [sflag:$0x2], $0x10, $0x38;
	[tilespmem:$0x18210] =	vst v63  }
0x191: {  	_ =	swait.ge @!p0 [sflag:s21], $0x10  }
0x192: {  	[sflag:s21] =	ssyncset.done @!p0 $0x0  }
0x193: {  	s19 =	sadd.s32 $0x1, s19;
	[sflag:s21] =	ssyncadd.s32 @!p0 $0xFFFFFFF0  }
0x194: {  	p1 =	sne.s32 s19, s9;
	_ =	swait.ge [sflag:s13], $0x80  }
.Ltmp2:
0x195: {  	[sflag:s13] =	ssyncset.done $0x0;
	(pc) =	sbr.rel @p1 .LBB2_1-.Ltmp2, $4  }
0x196: {  	[sflag:s13] =	ssyncadd.s32 $0xFFFFFF80  }
0x197: {  	_ =	swait.ge [sflag:s13], $0x80  }
0x198: {  	[sflag:s13] =	ssyncset.done $0x0  }
0x199: {  	[sflag:s13] =	ssyncadd.s32 $0xFFFFFF80  }
0x19a: {  	_ =	sfence.sel $0x180000  }
0x19b: {  	[bflag:$0x0] =	sbarrier.arrive $0xFFFF  }
0x19c: {  	_ =	strace $0x90000047  }
0x19d: {  	s0 =	sadd.s32 @!p0 $0x100000, s0;
	[bflag:$0x2] =	sbarrier.arrive $0xFFFF  }
0x19e: {  	[sflag:s0] =	ssyncadd.tile.s32 @!p0 $0x1;
	_ =	shalt  }
.Lfunc_end2:
_tile_overlayer_lowered:
.L_overlay_start_2:
0x19f: {  	(tag) =	ssettag $0x2  }
0x1a0: {  	s0 =	rddreg [dreg:$0x0];
	s2 =	stileid.u32  }
0x1a1: {  	s1 =	rddreg [dreg:$0x1];
	p0 =	sne.s32 s2, $0x0  }
0x1a2: {  	s3 =	rddreg [dreg:$0x2];
	[bflag:$0x3] =	sbarrier.arrive $0xFFFF;
	s2 =	simm.s32 @!p0 $0x1C02  }
0x1a3: {  	[timem:s3], [sflag:s2] =	dma.local @!p0 [hbm:s0], s1  }
0x1a4: {  	s0 =	simm.s32 @!p0 $0x2  }
0x1a5: {  	_ =	swait.ge @!p0 [sflag:s0], s1  }
0x1a6: {  	s1 =	ssub.s32 @!p0 $0x0, s1;
	[sflag:s0] =	ssyncset.done @!p0 $0x0  }
0x1a7: {  	[sflag:s0] =	ssyncadd.s32 @!p0 s1  }
0x1a8: {  	[bflag:$0x3] =	sbarrier.arrive $0xFFFF  }
0x1a9: {  	_ =	shalt  }

</sc_bundles>
